<compile_context>
chip_gen: v7x
topology: tpu7x:2x2x1
jax: 0.10.2.dev20260603
libtpu: 0.0.44.dev20260713+nightly
codegen_flags: <defaults>
</compile_context>

<pallas_src>
import functools

import jax
import jax.numpy as jnp
from jax import lax
from jax.experimental import pallas as pl
from jax.experimental.pallas import tpu as pltpu
from jax.experimental.pallas import tpu_sc as plsc

_NC = 2
_NS = 16
_NW = _NC * _NS
_CHUNK = 16
_NBUF = 4
_NCHUNK = 8


def _sc_copy(x_hbm, o_hbm, buf, in_sems, out_sems):
    wid = lax.axis_index("s") * _NC + lax.axis_index("c")
    base = wid * (_CHUNK * _NCHUNK)

    def in_copy(j, b):
        return pltpu.make_async_copy(
            x_hbm.at[pl.ds(base + j * _CHUNK, _CHUNK)], buf.at[b], in_sems.at[b]
        )

    def out_copy(j, b):
        return pltpu.make_async_copy(
            buf.at[b], o_hbm.at[pl.ds(base + j * _CHUNK, _CHUNK)], out_sems.at[b]
        )

    ins = [in_copy(j, j % _NBUF) for j in range(_NCHUNK)]
    outs = [out_copy(j, j % _NBUF) for j in range(_NCHUNK)]
    for j in range(_NBUF):
        ins[j].start()
    for j in range(_NCHUNK):
        ins[j].wait()
        outs[j].start()
        nxt = j + _NBUF
        if nxt < _NCHUNK:
            outs[j].wait()
            ins[nxt].start()
    for j in range(_NCHUNK - _NBUF, _NCHUNK):
        outs[j].wait()


def kernel(batch):
    B, F = batch.shape
    mesh = plsc.VectorSubcoreMesh(core_axis_name="c", subcore_axis_name="s")
    k = functools.partial(
        pl.kernel,
        mesh=mesh,
        out_type=jax.ShapeDtypeStruct((B, F), batch.dtype),
        scratch_types=[
            pltpu.VMEM((2, _CHUNK, F), batch.dtype),
            pltpu.SemaphoreType.DMA((2,)),
            pltpu.SemaphoreType.DMA((2,)),
        ],
    )(_sc_copy)
    return k(batch)

# --- scband reference (transcript-rebuilt; emitter-appended) ---
"""Pipeline reference for scband-differentiable-rebatch-impl-47991964566107 (READ-ONLY COPY).

The authoritative reference and input builder live on the scoring server;
editing this copy changes nothing except your own understanding.
"""

import jax, jax.numpy as jnp
import numpy as np

TARGET_BATCH_SIZE = 4096
MAX_BUFFER_SIZE = 8192

def setup_inputs(seed: int = 0) -> dict:
    key = jax.random.key(seed)
    batch = jax.random.normal(key, (4096, 1024), dtype=jnp.float32)
    return {"batch": batch}

def reference(batch):
    # Models one __call__ of DifferentiableRebatchImpl starting from empty state.
    B = batch.shape[0]
    feat_shape = batch.shape[1:]
    ndim_tail = batch.ndim - 1
    # _initialize_buffer
    buffer = jnp.zeros((MAX_BUFFER_SIZE,) + feat_shape, dtype=batch.dtype)
    buffer_mask = jnp.zeros(MAX_BUFFER_SIZE, dtype=bool)
    buffer_size = 0
    # _add_to_buffer (scatter-overwrite via dynamic_update_slice)
    start_idx = buffer_size
    buffer = jax.lax.dynamic_update_slice(buffer, batch, (start_idx,) + (0,) * ndim_tail)
    mask_update = jnp.ones(B, dtype=bool)
    buffer_mask = jax.lax.dynamic_update_slice(buffer_mask, mask_update, (start_idx,))
    buffer_size = start_idx + B
    # _try_emit: buffer_size >= target_batch_size, so extract + shift
    out = jax.lax.dynamic_slice(buffer, (0,) + (0,) * ndim_tail, (TARGET_BATCH_SIZE,) + feat_shape)
    buffer = jnp.roll(buffer, -TARGET_BATCH_SIZE, axis=0)
    buffer_mask = jnp.roll(buffer_mask, -TARGET_BATCH_SIZE)
    # output batch is the emitted batch (is_valid == True)
    return out

if __name__ == "__main__":
    import jax
    _d = setup_inputs()
    print(jax.jit(kernel)(*tuple(_d.values())))

</pallas_src>

<mosaic_0001>
#map = affine_map<(d0, d1) -> (0, 0)>
module attributes {stable_mosaic.version = 14 : i64} {
  func.func @_sc_copy(%arg0: i32, %arg1: i32, %arg2: memref<4096x1024xf32, #tpu.memory_space<hbm>>, %arg3: memref<4096x1024xf32, #tpu.memory_space<hbm>>, %arg4: memref<2x16x1024xf32, #tpu.memory_space<vmem>>, %arg5: memref<2x!tpu.dma_semaphore, #tpu.memory_space<semaphore_mem>>, %arg6: memref<2x!tpu.dma_semaphore, #tpu.memory_space<semaphore_mem>>) attributes {dimension_semantics = [#tpu.dimension_semantics<core_parallel>, #tpu.dimension_semantics<subcore_parallel>], iteration_bounds = array<i64: 2, 16>, scalar_prefetch = 0 : i64, scratch_operands = 3 : i64, tpu.core_type = #tpu.core_type<sc_vector_subcore>, window_params = [{transform_indices = #map}, {transform_indices = #map}]} {
    %mul3A = arith.constant 2 : i32
    %mul3A_0 = arith.muli %arg1, %mul3A : i32
    %add3A = arith.addi %mul3A_0, %arg0 : i32
    %mul3A_1 = arith.constant 128 : i32
    %mul3A_2 = arith.muli %add3A, %mul3A_1 : i32
    %add3A_3 = arith.constant 0 : i32
    %add3A_4 = arith.addi %mul3A_2, %add3A_3 : i32
    %add3A_5 = arith.constant 16 : i32
    %add3A_6 = arith.addi %mul3A_2, %add3A_5 : i32
    %add3A_7 = arith.constant 32 : i32
    %add3A_8 = arith.addi %mul3A_2, %add3A_7 : i32
    %add3A_9 = arith.constant 48 : i32
    %add3A_10 = arith.addi %mul3A_2, %add3A_9 : i32
    %add3A_11 = arith.constant 64 : i32
    %add3A_12 = arith.addi %mul3A_2, %add3A_11 : i32
    %add3A_13 = arith.constant 80 : i32
    %add3A_14 = arith.addi %mul3A_2, %add3A_13 : i32
    %add3A_15 = arith.constant 96 : i32
    %add3A_16 = arith.addi %mul3A_2, %add3A_15 : i32
    %add3A_17 = arith.constant 112 : i32
    %add3A_18 = arith.addi %mul3A_2, %add3A_17 : i32
    %add3A_19 = arith.constant 0 : i32
    %add3A_20 = arith.addi %mul3A_2, %add3A_19 : i32
    %add3A_21 = arith.constant 16 : i32
    %add3A_22 = arith.addi %mul3A_2, %add3A_21 : i32
    %add3A_23 = arith.constant 32 : i32
    %add3A_24 = arith.addi %mul3A_2, %add3A_23 : i32
    %add3A_25 = arith.constant 48 : i32
    %add3A_26 = arith.addi %mul3A_2, %add3A_25 : i32
    %add3A_27 = arith.constant 64 : i32
    %add3A_28 = arith.addi %mul3A_2, %add3A_27 : i32
    %add3A_29 = arith.constant 80 : i32
    %add3A_30 = arith.addi %mul3A_2, %add3A_29 : i32
    %add3A_31 = arith.constant 96 : i32
    %add3A_32 = arith.addi %mul3A_2, %add3A_31 : i32
    %add3A_33 = arith.constant 112 : i32
    %add3A_34 = arith.addi %mul3A_2, %add3A_33 : i32
    %dma_start3A = arith.constant 0 : i32
    %dma_start3A_35 = arith.constant 0 : i32
    %dma_start3A_36 = arith.constant 0 : i32
    %dma_start3A_37 = arith.constant 0 : i32
    %dma_start3A_38 = tpu.memref_slice %arg4[%dma_start3A, %dma_start3A_36, %dma_start3A_37] : memref<2x16x1024xf32, #tpu.memory_space<vmem>> -> memref<1x16x1024xf32, #tpu.memory_space<vmem>>
    %dma_start3A_39 = tpu.memref_squeeze %dma_start3A_38 : memref<1x16x1024xf32, #tpu.memory_space<vmem>> -> memref<16x1024xf32, #tpu.memory_space<vmem>>
    %dma_start3A_40 = arith.constant 0 : i32
    %dma_start3A_41 = tpu.memref_slice %arg2[%add3A_4, %dma_start3A_40] : memref<4096x1024xf32, #tpu.memory_space<hbm>> -> memref<16x1024xf32, #tpu.memory_space<hbm>>
    %dma_start3A_42 = tpu.memref_slice %arg5[%dma_start3A_35] : memref<2x!tpu.dma_semaphore, #tpu.memory_space<semaphore_mem>> -> memref<1x!tpu.dma_semaphore, #tpu.memory_space<semaphore_mem>>
    %dma_start3A_43 = tpu.memref_squeeze %dma_start3A_42 : memref<1x!tpu.dma_semaphore, #tpu.memory_space<semaphore_mem>> -> memref<!tpu.dma_semaphore, #tpu.memory_space<semaphore_mem>>
    %dma_start3A_44 = arith.constant 0 : i32
    %dma_start3A_45 = arith.constant 0 : i32
    %dma_start3A_46 = tpu.memref_slice %arg4[%dma_start3A, %dma_start3A_44, %dma_start3A_45] : memref<2x16x1024xf32, #tpu.memory_space<vmem>> -> memref<1x16x1024xf32, #tpu.memory_space<vmem>>
    %dma_start3A_47 = tpu.memref_squeeze %dma_start3A_46 : memref<1x16x1024xf32, #tpu.memory_space<vmem>> -> memref<16x1024xf32, #tpu.memory_space<vmem>>
    %dma_start3A_48 = arith.constant 0 : i32
    %dma_start3A_49 = tpu.memref_slice %arg2[%add3A_4, %dma_start3A_48] : memref<4096x1024xf32, #tpu.memory_space<hbm>> -> memref<16x1024xf32, #tpu.memory_space<hbm>>
    tpu.enqueue_dma source(%dma_start3A_49 : memref<16x1024xf32, #tpu.memory_space<hbm>>) target(%dma_start3A_47 : memref<16x1024xf32, #tpu.memory_space<vmem>>) target_semaphore(%dma_start3A_43 : memref<!tpu.dma_semaphore, #tpu.memory_space<semaphore_mem>>)
    %dma_start3A_50 = arith.constant 1 : i32
    %dma_start3A_51 = arith.constant 1 : i32
    %dma_start3A_52 = arith.constant 0 : i32
    %dma_start3A_53 = arith.constant 0 : i32
    %dma_start3A_54 = tpu.memref_slice %arg4[%dma_start3A_50, %dma_start3A_52, %dma_start3A_53] : memref<2x16x1024xf32, #tpu.memory_space<vmem>> -> memref<1x16x1024xf32, #tpu.memory_space<vmem>>
    %dma_start3A_55 = tpu.memref_squeeze %dma_start3A_54 : memref<1x16x1024xf32, #tpu.memory_space<vmem>> -> memref<16x1024xf32, #tpu.memory_space<vmem>>
    %dma_start3A_56 = arith.constant 0 : i32
    %dma_start3A_57 = tpu.memref_slice %arg2[%add3A_6, %dma_start3A_56] : memref<4096x1024xf32, #tpu.memory_space<hbm>> -> memref<16x1024xf32, #tpu.memory_space<hbm>>
    %dma_start3A_58 = tpu.memref_slice %arg5[%dma_start3A_51] : memref<2x!tpu.dma_semaphore, #tpu.memory_space<semaphore_mem>> -> memref<1x!tpu.dma_semaphore, #tpu.memory_space<semaphore_mem>>
    %dma_start3A_59 = tpu.memref_squeeze %dma_start3A_58 : memref<1x!tpu.dma_semaphore, #tpu.memory_space<semaphore_mem>> -> memref<!tpu.dma_semaphore, #tpu.memory_space<semaphore_mem>>
    %dma_start3A_60 = arith.constant 0 : i32
    %dma_start3A_61 = arith.constant 0 : i32
    %dma_start3A_62 = tpu.memref_slice %arg4[%dma_start3A_50, %dma_start3A_60, %dma_start3A_61] : memref<2x16x1024xf32, #tpu.memory_space<vmem>> -> memref<1x16x1024xf32, #tpu.memory_space<vmem>>
    %dma_start3A_63 = tpu.memref_squeeze %dma_start3A_62 : memref<1x16x1024xf32, #tpu.memory_space<vmem>> -> memref<16x1024xf32, #tpu.memory_space<vmem>>
    %dma_start3A_64 = arith.constant 0 : i32
    %dma_start3A_65 = tpu.memref_slice %arg2[%add3A_6, %dma_start3A_64] : memref<4096x1024xf32, #tpu.memory_space<hbm>> -> memref<16x1024xf32, #tpu.memory_space<hbm>>
    tpu.enqueue_dma source(%dma_start3A_65 : memref<16x1024xf32, #tpu.memory_space<hbm>>) target(%dma_start3A_63 : memref<16x1024xf32, #tpu.memory_space<vmem>>) target_semaphore(%dma_start3A_59 : memref<!tpu.dma_semaphore, #tpu.memory_space<semaphore_mem>>)
    %dma_start3A_66 = arith.constant 2 : i32
    %dma_start3A_67 = arith.constant 2 : i32
    %dma_start3A_68 = arith.constant 0 : i32
    %dma_start3A_69 = arith.constant 0 : i32
    %dma_start3A_70 = tpu.memref_slice %arg4[%dma_start3A_66, %dma_start3A_68, %dma_start3A_69] : memref<2x16x1024xf32, #tpu.memory_space<vmem>> -> memref<1x16x1024xf32, #tpu.memory_space<vmem>>
    %dma_start3A_71 = tpu.memref_squeeze %dma_start3A_70 : memref<1x16x1024xf32, #tpu.memory_space<vmem>> -> memref<16x1024xf32, #tpu.memory_space<vmem>>
    %dma_start3A_72 = arith.constant 0 : i32
    %dma_start3A_73 = tpu.memref_slice %arg2[%add3A_8, %dma_start3A_72] : memref<4096x1024xf32, #tpu.memory_space<hbm>> -> memref<16x1024xf32, #tpu.memory_space<hbm>>
    %dma_start3A_74 = tpu.memref_slice %arg5[%dma_start3A_67] : memref<2x!tpu.dma_semaphore, #tpu.memory_space<semaphore_mem>> -> memref<1x!tpu.dma_semaphore, #tpu.memory_space<semaphore_mem>>
    %dma_start3A_75 = tpu.memref_squeeze %dma_start3A_74 : memref<1x!tpu.dma_semaphore, #tpu.memory_space<semaphore_mem>> -> memref<!tpu.dma_semaphore, #tpu.memory_space<semaphore_mem>>
    %dma_start3A_76 = arith.constant 0 : i32
    %dma_start3A_77 = arith.constant 0 : i32
    %dma_start3A_78 = tpu.memref_slice %arg4[%dma_start3A_66, %dma_start3A_76, %dma_start3A_77] : memref<2x16x1024xf32, #tpu.memory_space<vmem>> -> memref<1x16x1024xf32, #tpu.memory_space<vmem>>
    %dma_start3A_79 = tpu.memref_squeeze %dma_start3A_78 : memref<1x16x1024xf32, #tpu.memory_space<vmem>> -> memref<16x1024xf32, #tpu.memory_space<vmem>>
    %dma_start3A_80 = arith.constant 0 : i32
    %dma_start3A_81 = tpu.memref_slice %arg2[%add3A_8, %dma_start3A_80] : memref<4096x1024xf32, #tpu.memory_space<hbm>> -> memref<16x1024xf32, #tpu.memory_space<hbm>>
    tpu.enqueue_dma source(%dma_start3A_81 : memref<16x1024xf32, #tpu.memory_space<hbm>>) target(%dma_start3A_79 : memref<16x1024xf32, #tpu.memory_space<vmem>>) target_semaphore(%dma_start3A_75 : memref<!tpu.dma_semaphore, #tpu.memory_space<semaphore_mem>>)
    %dma_start3A_82 = arith.constant 3 : i32
    %dma_start3A_83 = arith.constant 3 : i32
    %dma_start3A_84 = arith.constant 0 : i32
    %dma_start3A_85 = arith.constant 0 : i32
    %dma_start3A_86 = tpu.memref_slice %arg4[%dma_start3A_82, %dma_start3A_84, %dma_start3A_85] : memref<2x16x1024xf32, #tpu.memory_space<vmem>> -> memref<1x16x1024xf32, #tpu.memory_space<vmem>>
    %dma_start3A_87 = tpu.memref_squeeze %dma_start3A_86 : memref<1x16x1024xf32, #tpu.memory_space<vmem>> -> memref<16x1024xf32, #tpu.memory_space<vmem>>
    %dma_start3A_88 = arith.constant 0 : i32
    %dma_start3A_89 = tpu.memref_slice %arg2[%add3A_10, %dma_start3A_88] : memref<4096x1024xf32, #tpu.memory_space<hbm>> -> memref<16x1024xf32, #tpu.memory_space<hbm>>
    %dma_start3A_90 = tpu.memref_slice %arg5[%dma_start3A_83] : memref<2x!tpu.dma_semaphore, #tpu.memory_space<semaphore_mem>> -> memref<1x!tpu.dma_semaphore, #tpu.memory_space<semaphore_mem>>
    %dma_start3A_91 = tpu.memref_squeeze %dma_start3A_90 : memref<1x!tpu.dma_semaphore, #tpu.memory_space<semaphore_mem>> -> memref<!tpu.dma_semaphore, #tpu.memory_space<semaphore_mem>>
    %dma_start3A_92 = arith.constant 0 : i32
    %dma_start3A_93 = arith.constant 0 : i32
    %dma_start3A_94 = tpu.memref_slice %arg4[%dma_start3A_82, %dma_start3A_92, %dma_start3A_93] : memref<2x16x1024xf32, #tpu.memory_space<vmem>> -> memref<1x16x1024xf32, #tpu.memory_space<vmem>>
    %dma_start3A_95 = tpu.memref_squeeze %dma_start3A_94 : memref<1x16x1024xf32, #tpu.memory_space<vmem>> -> memref<16x1024xf32, #tpu.memory_space<vmem>>
    %dma_start3A_96 = arith.constant 0 : i32
    %dma_start3A_97 = tpu.memref_slice %arg2[%add3A_10, %dma_start3A_96] : memref<4096x1024xf32, #tpu.memory_space<hbm>> -> memref<16x1024xf32, #tpu.memory_space<hbm>>
    tpu.enqueue_dma source(%dma_start3A_97 : memref<16x1024xf32, #tpu.memory_space<hbm>>) target(%dma_start3A_95 : memref<16x1024xf32, #tpu.memory_space<vmem>>) target_semaphore(%dma_start3A_91 : memref<!tpu.dma_semaphore, #tpu.memory_space<semaphore_mem>>)
    %dma_wait3A = arith.constant 0 : i32
    %dma_wait3A_98 = arith.constant 0 : i32
    %dma_wait3A_99 = arith.constant 0 : i32
    %dma_wait3A_100 = arith.constant 0 : i32
    %dma_wait3A_101 = tpu.memref_slice %arg4[%dma_wait3A, %dma_wait3A_99, %dma_wait3A_100] : memref<2x16x1024xf32, #tpu.memory_space<vmem>> -> memref<1x16x1024xf32, #tpu.memory_space<vmem>>
    %dma_wait3A_102 = tpu.memref_squeeze %dma_wait3A_101 : memref<1x16x1024xf32, #tpu.memory_space<vmem>> -> memref<16x1024xf32, #tpu.memory_space<vmem>>
    %dma_wait3A_103 = arith.constant 0 : i32
    %dma_wait3A_104 = tpu.memref_slice %arg2[%add3A_4, %dma_wait3A_103] : memref<4096x1024xf32, #tpu.memory_space<hbm>> -> memref<16x1024xf32, #tpu.memory_space<hbm>>
    %dma_wait3A_105 = tpu.memref_slice %arg5[%dma_wait3A_98] : memref<2x!tpu.dma_semaphore, #tpu.memory_space<semaphore_mem>> -> memref<1x!tpu.dma_semaphore, #tpu.memory_space<semaphore_mem>>
    %dma_wait3A_106 = tpu.memref_squeeze %dma_wait3A_105 : memref<1x!tpu.dma_semaphore, #tpu.memory_space<semaphore_mem>> -> memref<!tpu.dma_semaphore, #tpu.memory_space<semaphore_mem>>
    %dma_wait3A_107 = arith.constant 0 : i32
    %dma_wait3A_108 = arith.constant 0 : i32
    %dma_wait3A_109 = tpu.memref_slice %arg4[%dma_wait3A, %dma_wait3A_107, %dma_wait3A_108] : memref<2x16x1024xf32, #tpu.memory_space<vmem>> -> memref<1x16x1024xf32, #tpu.memory_space<vmem>>
    %dma_wait3A_110 = tpu.memref_squeeze %dma_wait3A_109 : memref<1x16x1024xf32, #tpu.memory_space<vmem>> -> memref<16x1024xf32, #tpu.memory_space<vmem>>
    %dma_wait3A_111 = arith.constant 0 : i32
    %dma_wait3A_112 = tpu.memref_slice %arg2[%add3A_4, %dma_wait3A_111] : memref<4096x1024xf32, #tpu.memory_space<hbm>> -> memref<16x1024xf32, #tpu.memory_space<hbm>>
    tpu.wait_dma2 semaphore(%dma_wait3A_106 : memref<!tpu.dma_semaphore, #tpu.memory_space<semaphore_mem>>) src(%dma_wait3A_112 : memref<16x1024xf32, #tpu.memory_space<hbm>>) dst(%dma_wait3A_110 : memref<16x1024xf32, #tpu.memory_space<vmem>>)
    %dma_start3A_113 = arith.constant 0 : i32
    %dma_start3A_114 = arith.constant 0 : i32
    %dma_start3A_115 = arith.constant 0 : i32
    %dma_start3A_116 = arith.constant 0 : i32
    %dma_start3A_117 = tpu.memref_slice %arg4[%dma_start3A_113, %dma_start3A_115, %dma_start3A_116] : memref<2x16x1024xf32, #tpu.memory_space<vmem>> -> memref<1x16x1024xf32, #tpu.memory_space<vmem>>
    %dma_start3A_118 = tpu.memref_squeeze %dma_start3A_117 : memref<1x16x1024xf32, #tpu.memory_space<vmem>> -> memref<16x1024xf32, #tpu.memory_space<vmem>>
    %dma_start3A_119 = arith.constant 0 : i32
    %dma_start3A_120 = tpu.memref_slice %arg3[%add3A_20, %dma_start3A_119] : memref<4096x1024xf32, #tpu.memory_space<hbm>> -> memref<16x1024xf32, #tpu.memory_space<hbm>>
    %dma_start3A_121 = tpu.memref_slice %arg6[%dma_start3A_114] : memref<2x!tpu.dma_semaphore, #tpu.memory_space<semaphore_mem>> -> memref<1x!tpu.dma_semaphore, #tpu.memory_space<semaphore_mem>>
    %dma_start3A_122 = tpu.memref_squeeze %dma_start3A_121 : memref<1x!tpu.dma_semaphore, #tpu.memory_space<semaphore_mem>> -> memref<!tpu.dma_semaphore, #tpu.memory_space<semaphore_mem>>
    %dma_start3A_123 = arith.constant 0 : i32
    %dma_start3A_124 = tpu.memref_slice %arg3[%add3A_20, %dma_start3A_123] : memref<4096x1024xf32, #tpu.memory_space<hbm>> -> memref<16x1024xf32, #tpu.memory_space<hbm>>
    %dma_start3A_125 = arith.constant 0 : i32
    %dma_start3A_126 = arith.constant 0 : i32
    %dma_start3A_127 = tpu.memref_slice %arg4[%dma_start3A_113, %dma_start3A_125, %dma_start3A_126] : memref<2x16x1024xf32, #tpu.memory_space<vmem>> -> memref<1x16x1024xf32, #tpu.memory_space<vmem>>
    %dma_start3A_128 = tpu.memref_squeeze %dma_start3A_127 : memref<1x16x1024xf32, #tpu.memory_space<vmem>> -> memref<16x1024xf32, #tpu.memory_space<vmem>>
    tpu.enqueue_dma source(%dma_start3A_128 : memref<16x1024xf32, #tpu.memory_space<vmem>>) target(%dma_start3A_124 : memref<16x1024xf32, #tpu.memory_space<hbm>>) target_semaphore(%dma_start3A_122 : memref<!tpu.dma_semaphore, #tpu.memory_space<semaphore_mem>>)
    %dma_wait3A_129 = arith.constant 0 : i32
    %dma_wait3A_130 = arith.constant 0 : i32
    %dma_wait3A_131 = arith.constant 0 : i32
    %dma_wait3A_132 = arith.constant 0 : i32
    %dma_wait3A_133 = tpu.memref_slice %arg4[%dma_wait3A_129, %dma_wait3A_131, %dma_wait3A_132] : memref<2x16x1024xf32, #tpu.memory_space<vmem>> -> memref<1x16x1024xf32, #tpu.memory_space<vmem>>
    %dma_wait3A_134 = tpu.memref_squeeze %dma_wait3A_133 : memref<1x16x1024xf32, #tpu.memory_space<vmem>> -> memref<16x1024xf32, #tpu.memory_space<vmem>>
    %dma_wait3A_135 = arith.constant 0 : i32
    %dma_wait3A_136 = tpu.memref_slice %arg3[%add3A_20, %dma_wait3A_135] : memref<4096x1024xf32, #tpu.memory_space<hbm>> -> memref<16x1024xf32, #tpu.memory_space<hbm>>
    %dma_wait3A_137 = tpu.memref_slice %arg6[%dma_wait3A_130] : memref<2x!tpu.dma_semaphore, #tpu.memory_space<semaphore_mem>> -> memref<1x!tpu.dma_semaphore, #tpu.memory_space<semaphore_mem>>
    %dma_wait3A_138 = tpu.memref_squeeze %dma_wait3A_137 : memref<1x!tpu.dma_semaphore, #tpu.memory_space<semaphore_mem>> -> memref<!tpu.dma_semaphore, #tpu.memory_space<semaphore_mem>>
    %dma_wait3A_139 = arith.constant 0 : i32
    %dma_wait3A_140 = tpu.memref_slice %arg3[%add3A_20, %dma_wait3A_139] : memref<4096x1024xf32, #tpu.memory_space<hbm>> -> memref<16x1024xf32, #tpu.memory_space<hbm>>
    %dma_wait3A_141 = arith.constant 0 : i32
    %dma_wait3A_142 = arith.constant 0 : i32
    %dma_wait3A_143 = tpu.memref_slice %arg4[%dma_wait3A_129, %dma_wait3A_141, %dma_wait3A_142] : memref<2x16x1024xf32, #tpu.memory_space<vmem>> -> memref<1x16x1024xf32, #tpu.memory_space<vmem>>
    %dma_wait3A_144 = tpu.memref_squeeze %dma_wait3A_143 : memref<1x16x1024xf32, #tpu.memory_space<vmem>> -> memref<16x1024xf32, #tpu.memory_space<vmem>>
    tpu.wait_dma2 semaphore(%dma_wait3A_138 : memref<!tpu.dma_semaphore, #tpu.memory_space<semaphore_mem>>) src(%dma_wait3A_144 : memref<16x1024xf32, #tpu.memory_space<vmem>>) dst(%dma_wait3A_140 : memref<16x1024xf32, #tpu.memory_space<hbm>>)
    %dma_start3A_145 = arith.constant 0 : i32
    %dma_start3A_146 = arith.constant 0 : i32
    %dma_start3A_147 = arith.constant 0 : i32
    %dma_start3A_148 = arith.constant 0 : i32
    %dma_start3A_149 = tpu.memref_slice %arg4[%dma_start3A_145, %dma_start3A_147, %dma_start3A_148] : memref<2x16x1024xf32, #tpu.memory_space<vmem>> -> memref<1x16x1024xf32, #tpu.memory_space<vmem>>
    %dma_start3A_150 = tpu.memref_squeeze %dma_start3A_149 : memref<1x16x1024xf32, #tpu.memory_space<vmem>> -> memref<16x1024xf32, #tpu.memory_space<vmem>>
    %dma_start3A_151 = arith.constant 0 : i32
    %dma_start3A_152 = tpu.memref_slice %arg2[%add3A_12, %dma_start3A_151] : memref<4096x1024xf32, #tpu.memory_space<hbm>> -> memref<16x1024xf32, #tpu.memory_space<hbm>>
    %dma_start3A_153 = tpu.memref_slice %arg5[%dma_start3A_146] : memref<2x!tpu.dma_semaphore, #tpu.memory_space<semaphore_mem>> -> memref<1x!tpu.dma_semaphore, #tpu.memory_space<semaphore_mem>>
    %dma_start3A_154 = tpu.memref_squeeze %dma_start3A_153 : memref<1x!tpu.dma_semaphore, #tpu.memory_space<semaphore_mem>> -> memref<!tpu.dma_semaphore, #tpu.memory_space<semaphore_mem>>
    %dma_start3A_155 = arith.constant 0 : i32
    %dma_start3A_156 = arith.constant 0 : i32
    %dma_start3A_157 = tpu.memref_slice %arg4[%dma_start3A_145, %dma_start3A_155, %dma_start3A_156] : memref<2x16x1024xf32, #tpu.memory_space<vmem>> -> memref<1x16x1024xf32, #tpu.memory_space<vmem>>
    %dma_start3A_158 = tpu.memref_squeeze %dma_start3A_157 : memref<1x16x1024xf32, #tpu.memory_space<vmem>> -> memref<16x1024xf32, #tpu.memory_space<vmem>>
    %dma_start3A_159 = arith.constant 0 : i32
    %dma_start3A_160 = tpu.memref_slice %arg2[%add3A_12, %dma_start3A_159] : memref<4096x1024xf32, #tpu.memory_space<hbm>> -> memref<16x1024xf32, #tpu.memory_space<hbm>>
    tpu.enqueue_dma source(%dma_start3A_160 : memref<16x1024xf32, #tpu.memory_space<hbm>>) target(%dma_start3A_158 : memref<16x1024xf32, #tpu.memory_space<vmem>>) target_semaphore(%dma_start3A_154 : memref<!tpu.dma_semaphore, #tpu.memory_space<semaphore_mem>>)
    %dma_wait3A_161 = arith.constant 1 : i32
    %dma_wait3A_162 = arith.constant 1 : i32
    %dma_wait3A_163 = arith.constant 0 : i32
    %dma_wait3A_164 = arith.constant 0 : i32
    %dma_wait3A_165 = tpu.memref_slice %arg4[%dma_wait3A_161, %dma_wait3A_163, %dma_wait3A_164] : memref<2x16x1024xf32, #tpu.memory_space<vmem>> -> memref<1x16x1024xf32, #tpu.memory_space<vmem>>
    %dma_wait3A_166 = tpu.memref_squeeze %dma_wait3A_165 : memref<1x16x1024xf32, #tpu.memory_space<vmem>> -> memref<16x1024xf32, #tpu.memory_space<vmem>>
    %dma_wait3A_167 = arith.constant 0 : i32
    %dma_wait3A_168 = tpu.memref_slice %arg2[%add3A_6, %dma_wait3A_167] : memref<4096x1024xf32, #tpu.memory_space<hbm>> -> memref<16x1024xf32, #tpu.memory_space<hbm>>
    %dma_wait3A_169 = tpu.memref_slice %arg5[%dma_wait3A_162] : memref<2x!tpu.dma_semaphore, #tpu.memory_space<semaphore_mem>> -> memref<1x!tpu.dma_semaphore, #tpu.memory_space<semaphore_mem>>
    %dma_wait3A_170 = tpu.memref_squeeze %dma_wait3A_169 : memref<1x!tpu.dma_semaphore, #tpu.memory_space<semaphore_mem>> -> memref<!tpu.dma_semaphore, #tpu.memory_space<semaphore_mem>>
    %dma_wait3A_171 = arith.constant 0 : i32
    %dma_wait3A_172 = arith.constant 0 : i32
    %dma_wait3A_173 = tpu.memref_slice %arg4[%dma_wait3A_161, %dma_wait3A_171, %dma_wait3A_172] : memref<2x16x1024xf32, #tpu.memory_space<vmem>> -> memref<1x16x1024xf32, #tpu.memory_space<vmem>>
    %dma_wait3A_174 = tpu.memref_squeeze %dma_wait3A_173 : memref<1x16x1024xf32, #tpu.memory_space<vmem>> -> memref<16x1024xf32, #tpu.memory_space<vmem>>
    %dma_wait3A_175 = arith.constant 0 : i32
    %dma_wait3A_176 = tpu.memref_slice %arg2[%add3A_6, %dma_wait3A_175] : memref<4096x1024xf32, #tpu.memory_space<hbm>> -> memref<16x1024xf32, #tpu.memory_space<hbm>>
    tpu.wait_dma2 semaphore(%dma_wait3A_170 : memref<!tpu.dma_semaphore, #tpu.memory_space<semaphore_mem>>) src(%dma_wait3A_176 : memref<16x1024xf32, #tpu.memory_space<hbm>>) dst(%dma_wait3A_174 : memref<16x1024xf32, #tpu.memory_space<vmem>>)
    %dma_start3A_177 = arith.constant 1 : i32
    %dma_start3A_178 = arith.constant 1 : i32
    %dma_start3A_179 = arith.constant 0 : i32
    %dma_start3A_180 = arith.constant 0 : i32
    %dma_start3A_181 = tpu.memref_slice %arg4[%dma_start3A_177, %dma_start3A_179, %dma_start3A_180] : memref<2x16x1024xf32, #tpu.memory_space<vmem>> -> memref<1x16x1024xf32, #tpu.memory_space<vmem>>
    %dma_start3A_182 = tpu.memref_squeeze %dma_start3A_181 : memref<1x16x1024xf32, #tpu.memory_space<vmem>> -> memref<16x1024xf32, #tpu.memory_space<vmem>>
    %dma_start3A_183 = arith.constant 0 : i32
    %dma_start3A_184 = tpu.memref_slice %arg3[%add3A_22, %dma_start3A_183] : memref<4096x1024xf32, #tpu.memory_space<hbm>> -> memref<16x1024xf32, #tpu.memory_space<hbm>>
    %dma_start3A_185 = tpu.memref_slice %arg6[%dma_start3A_178] : memref<2x!tpu.dma_semaphore, #tpu.memory_space<semaphore_mem>> -> memref<1x!tpu.dma_semaphore, #tpu.memory_space<semaphore_mem>>
    %dma_start3A_186 = tpu.memref_squeeze %dma_start3A_185 : memref<1x!tpu.dma_semaphore, #tpu.memory_space<semaphore_mem>> -> memref<!tpu.dma_semaphore, #tpu.memory_space<semaphore_mem>>
    %dma_start3A_187 = arith.constant 0 : i32
    %dma_start3A_188 = tpu.memref_slice %arg3[%add3A_22, %dma_start3A_187] : memref<4096x1024xf32, #tpu.memory_space<hbm>> -> memref<16x1024xf32, #tpu.memory_space<hbm>>
    %dma_start3A_189 = arith.constant 0 : i32
    %dma_start3A_190 = arith.constant 0 : i32
    %dma_start3A_191 = tpu.memref_slice %arg4[%dma_start3A_177, %dma_start3A_189, %dma_start3A_190] : memref<2x16x1024xf32, #tpu.memory_space<vmem>> -> memref<1x16x1024xf32, #tpu.memory_space<vmem>>
    %dma_start3A_192 = tpu.memref_squeeze %dma_start3A_191 : memref<1x16x1024xf32, #tpu.memory_space<vmem>> -> memref<16x1024xf32, #tpu.memory_space<vmem>>
    tpu.enqueue_dma source(%dma_start3A_192 : memref<16x1024xf32, #tpu.memory_space<vmem>>) target(%dma_start3A_188 : memref<16x1024xf32, #tpu.memory_space<hbm>>) target_semaphore(%dma_start3A_186 : memref<!tpu.dma_semaphore, #tpu.memory_space<semaphore_mem>>)
    %dma_wait3A_193 = arith.constant 1 : i32
    %dma_wait3A_194 = arith.constant 1 : i32
    %dma_wait3A_195 = arith.constant 0 : i32
    %dma_wait3A_196 = arith.constant 0 : i32
    %dma_wait3A_197 = tpu.memref_slice %arg4[%dma_wait3A_193, %dma_wait3A_195, %dma_wait3A_196] : memref<2x16x1024xf32, #tpu.memory_space<vmem>> -> memref<1x16x1024xf32, #tpu.memory_space<vmem>>
    %dma_wait3A_198 = tpu.memref_squeeze %dma_wait3A_197 : memref<1x16x1024xf32, #tpu.memory_space<vmem>> -> memref<16x1024xf32, #tpu.memory_space<vmem>>
    %dma_wait3A_199 = arith.constant 0 : i32
    %dma_wait3A_200 = tpu.memref_slice %arg3[%add3A_22, %dma_wait3A_199] : memref<4096x1024xf32, #tpu.memory_space<hbm>> -> memref<16x1024xf32, #tpu.memory_space<hbm>>
    %dma_wait3A_201 = tpu.memref_slice %arg6[%dma_wait3A_194] : memref<2x!tpu.dma_semaphore, #tpu.memory_space<semaphore_mem>> -> memref<1x!tpu.dma_semaphore, #tpu.memory_space<semaphore_mem>>
    %dma_wait3A_202 = tpu.memref_squeeze %dma_wait3A_201 : memref<1x!tpu.dma_semaphore, #tpu.memory_space<semaphore_mem>> -> memref<!tpu.dma_semaphore, #tpu.memory_space<semaphore_mem>>
    %dma_wait3A_203 = arith.constant 0 : i32
    %dma_wait3A_204 = tpu.memref_slice %arg3[%add3A_22, %dma_wait3A_203] : memref<4096x1024xf32, #tpu.memory_space<hbm>> -> memref<16x1024xf32, #tpu.memory_space<hbm>>
    %dma_wait3A_205 = arith.constant 0 : i32
    %dma_wait3A_206 = arith.constant 0 : i32
    %dma_wait3A_207 = tpu.memref_slice %arg4[%dma_wait3A_193, %dma_wait3A_205, %dma_wait3A_206] : memref<2x16x1024xf32, #tpu.memory_space<vmem>> -> memref<1x16x1024xf32, #tpu.memory_space<vmem>>
    %dma_wait3A_208 = tpu.memref_squeeze %dma_wait3A_207 : memref<1x16x1024xf32, #tpu.memory_space<vmem>> -> memref<16x1024xf32, #tpu.memory_space<vmem>>
    tpu.wait_dma2 semaphore(%dma_wait3A_202 : memref<!tpu.dma_semaphore, #tpu.memory_space<semaphore_mem>>) src(%dma_wait3A_208 : memref<16x1024xf32, #tpu.memory_space<vmem>>) dst(%dma_wait3A_204 : memref<16x1024xf32, #tpu.memory_space<hbm>>)
    %dma_start3A_209 = arith.constant 1 : i32
    %dma_start3A_210 = arith.constant 1 : i32
    %dma_start3A_211 = arith.constant 0 : i32
    %dma_start3A_212 = arith.constant 0 : i32
    %dma_start3A_213 = tpu.memref_slice %arg4[%dma_start3A_209, %dma_start3A_211, %dma_start3A_212] : memref<2x16x1024xf32, #tpu.memory_space<vmem>> -> memref<1x16x1024xf32, #tpu.memory_space<vmem>>
    %dma_start3A_214 = tpu.memref_squeeze %dma_start3A_213 : memref<1x16x1024xf32, #tpu.memory_space<vmem>> -> memref<16x1024xf32, #tpu.memory_space<vmem>>
    %dma_start3A_215 = arith.constant 0 : i32
    %dma_start3A_216 = tpu.memref_slice %arg2[%add3A_14, %dma_start3A_215] : memref<4096x1024xf32, #tpu.memory_space<hbm>> -> memref<16x1024xf32, #tpu.memory_space<hbm>>
    %dma_start3A_217 = tpu.memref_slice %arg5[%dma_start3A_210] : memref<2x!tpu.dma_semaphore, #tpu.memory_space<semaphore_mem>> -> memref<1x!tpu.dma_semaphore, #tpu.memory_space<semaphore_mem>>
    %dma_start3A_218 = tpu.memref_squeeze %dma_start3A_217 : memref<1x!tpu.dma_semaphore, #tpu.memory_space<semaphore_mem>> -> memref<!tpu.dma_semaphore, #tpu.memory_space<semaphore_mem>>
    %dma_start3A_219 = arith.constant 0 : i32
    %dma_start3A_220 = arith.constant 0 : i32
    %dma_start3A_221 = tpu.memref_slice %arg4[%dma_start3A_209, %dma_start3A_219, %dma_start3A_220] : memref<2x16x1024xf32, #tpu.memory_space<vmem>> -> memref<1x16x1024xf32, #tpu.memory_space<vmem>>
    %dma_start3A_222 = tpu.memref_squeeze %dma_start3A_221 : memref<1x16x1024xf32, #tpu.memory_space<vmem>> -> memref<16x1024xf32, #tpu.memory_space<vmem>>
    %dma_start3A_223 = arith.constant 0 : i32
    %dma_start3A_224 = tpu.memref_slice %arg2[%add3A_14, %dma_start3A_223] : memref<4096x1024xf32, #tpu.memory_space<hbm>> -> memref<16x1024xf32, #tpu.memory_space<hbm>>
    tpu.enqueue_dma source(%dma_start3A_224 : memref<16x1024xf32, #tpu.memory_space<hbm>>) target(%dma_start3A_222 : memref<16x1024xf32, #tpu.memory_space<vmem>>) target_semaphore(%dma_start3A_218 : memref<!tpu.dma_semaphore, #tpu.memory_space<semaphore_mem>>)
    %dma_wait3A_225 = arith.constant 2 : i32
    %dma_wait3A_226 = arith.constant 2 : i32
    %dma_wait3A_227 = arith.constant 0 : i32
    %dma_wait3A_228 = arith.constant 0 : i32
    %dma_wait3A_229 = tpu.memref_slice %arg4[%dma_wait3A_225, %dma_wait3A_227, %dma_wait3A_228] : memref<2x16x1024xf32, #tpu.memory_space<vmem>> -> memref<1x16x1024xf32, #tpu.memory_space<vmem>>
    %dma_wait3A_230 = tpu.memref_squeeze %dma_wait3A_229 : memref<1x16x1024xf32, #tpu.memory_space<vmem>> -> memref<16x1024xf32, #tpu.memory_space<vmem>>
    %dma_wait3A_231 = arith.constant 0 : i32
    %dma_wait3A_232 = tpu.memref_slice %arg2[%add3A_8, %dma_wait3A_231] : memref<4096x1024xf32, #tpu.memory_space<hbm>> -> memref<16x1024xf32, #tpu.memory_space<hbm>>
    %dma_wait3A_233 = tpu.memref_slice %arg5[%dma_wait3A_226] : memref<2x!tpu.dma_semaphore, #tpu.memory_space<semaphore_mem>> -> memref<1x!tpu.dma_semaphore, #tpu.memory_space<semaphore_mem>>
    %dma_wait3A_234 = tpu.memref_squeeze %dma_wait3A_233 : memref<1x!tpu.dma_semaphore, #tpu.memory_space<semaphore_mem>> -> memref<!tpu.dma_semaphore, #tpu.memory_space<semaphore_mem>>
    %dma_wait3A_235 = arith.constant 0 : i32
    %dma_wait3A_236 = arith.constant 0 : i32
    %dma_wait3A_237 = tpu.memref_slice %arg4[%dma_wait3A_225, %dma_wait3A_235, %dma_wait3A_236] : memref<2x16x1024xf32, #tpu.memory_space<vmem>> -> memref<1x16x1024xf32, #tpu.memory_space<vmem>>
    %dma_wait3A_238 = tpu.memref_squeeze %dma_wait3A_237 : memref<1x16x1024xf32, #tpu.memory_space<vmem>> -> memref<16x1024xf32, #tpu.memory_space<vmem>>
    %dma_wait3A_239 = arith.constant 0 : i32
    %dma_wait3A_240 = tpu.memref_slice %arg2[%add3A_8, %dma_wait3A_239] : memref<4096x1024xf32, #tpu.memory_space<hbm>> -> memref<16x1024xf32, #tpu.memory_space<hbm>>
    tpu.wait_dma2 semaphore(%dma_wait3A_234 : memref<!tpu.dma_semaphore, #tpu.memory_space<semaphore_mem>>) src(%dma_wait3A_240 : memref<16x1024xf32, #tpu.memory_space<hbm>>) dst(%dma_wait3A_238 : memref<16x1024xf32, #tpu.memory_space<vmem>>)
    %dma_start3A_241 = arith.constant 2 : i32
    %dma_start3A_242 = arith.constant 2 : i32
    %dma_start3A_243 = arith.constant 0 : i32
    %dma_start3A_244 = arith.constant 0 : i32
    %dma_start3A_245 = tpu.memref_slice %arg4[%dma_start3A_241, %dma_start3A_243, %dma_start3A_244] : memref<2x16x1024xf32, #tpu.memory_space<vmem>> -> memref<1x16x1024xf32, #tpu.memory_space<vmem>>
    %dma_start3A_246 = tpu.memref_squeeze %dma_start3A_245 : memref<1x16x1024xf32, #tpu.memory_space<vmem>> -> memref<16x1024xf32, #tpu.memory_space<vmem>>
    %dma_start3A_247 = arith.constant 0 : i32
    %dma_start3A_248 = tpu.memref_slice %arg3[%add3A_24, %dma_start3A_247] : memref<4096x1024xf32, #tpu.memory_space<hbm>> -> memref<16x1024xf32, #tpu.memory_space<hbm>>
    %dma_start3A_249 = tpu.memref_slice %arg6[%dma_start3A_242] : memref<2x!tpu.dma_semaphore, #tpu.memory_space<semaphore_mem>> -> memref<1x!tpu.dma_semaphore, #tpu.memory_space<semaphore_mem>>
    %dma_start3A_250 = tpu.memref_squeeze %dma_start3A_249 : memref<1x!tpu.dma_semaphore, #tpu.memory_space<semaphore_mem>> -> memref<!tpu.dma_semaphore, #tpu.memory_space<semaphore_mem>>
    %dma_start3A_251 = arith.constant 0 : i32
    %dma_start3A_252 = tpu.memref_slice %arg3[%add3A_24, %dma_start3A_251] : memref<4096x1024xf32, #tpu.memory_space<hbm>> -> memref<16x1024xf32, #tpu.memory_space<hbm>>
    %dma_start3A_253 = arith.constant 0 : i32
    %dma_start3A_254 = arith.constant 0 : i32
    %dma_start3A_255 = tpu.memref_slice %arg4[%dma_start3A_241, %dma_start3A_253, %dma_start3A_254] : memref<2x16x1024xf32, #tpu.memory_space<vmem>> -> memref<1x16x1024xf32, #tpu.memory_space<vmem>>
    %dma_start3A_256 = tpu.memref_squeeze %dma_start3A_255 : memref<1x16x1024xf32, #tpu.memory_space<vmem>> -> memref<16x1024xf32, #tpu.memory_space<vmem>>
    tpu.enqueue_dma source(%dma_start3A_256 : memref<16x1024xf32, #tpu.memory_space<vmem>>) target(%dma_start3A_252 : memref<16x1024xf32, #tpu.memory_space<hbm>>) target_semaphore(%dma_start3A_250 : memref<!tpu.dma_semaphore, #tpu.memory_space<semaphore_mem>>)
    %dma_wait3A_257 = arith.constant 2 : i32
    %dma_wait3A_258 = arith.constant 2 : i32
    %dma_wait3A_259 = arith.constant 0 : i32
    %dma_wait3A_260 = arith.constant 0 : i32
    %dma_wait3A_261 = tpu.memref_slice %arg4[%dma_wait3A_257, %dma_wait3A_259, %dma_wait3A_260] : memref<2x16x1024xf32, #tpu.memory_space<vmem>> -> memref<1x16x1024xf32, #tpu.memory_space<vmem>>
    %dma_wait3A_262 = tpu.memref_squeeze %dma_wait3A_261 : memref<1x16x1024xf32, #tpu.memory_space<vmem>> -> memref<16x1024xf32, #tpu.memory_space<vmem>>
    %dma_wait3A_263 = arith.constant 0 : i32
    %dma_wait3A_264 = tpu.memref_slice %arg3[%add3A_24, %dma_wait3A_263] : memref<4096x1024xf32, #tpu.memory_space<hbm>> -> memref<16x1024xf32, #tpu.memory_space<hbm>>
    %dma_wait3A_265 = tpu.memref_slice %arg6[%dma_wait3A_258] : memref<2x!tpu.dma_semaphore, #tpu.memory_space<semaphore_mem>> -> memref<1x!tpu.dma_semaphore, #tpu.memory_space<semaphore_mem>>
    %dma_wait3A_266 = tpu.memref_squeeze %dma_wait3A_265 : memref<1x!tpu.dma_semaphore, #tpu.memory_space<semaphore_mem>> -> memref<!tpu.dma_semaphore, #tpu.memory_space<semaphore_mem>>
    %dma_wait3A_267 = arith.constant 0 : i32
    %dma_wait3A_268 = tpu.memref_slice %arg3[%add3A_24, %dma_wait3A_267] : memref<4096x1024xf32, #tpu.memory_space<hbm>> -> memref<16x1024xf32, #tpu.memory_space<hbm>>
    %dma_wait3A_269 = arith.constant 0 : i32
    %dma_wait3A_270 = arith.constant 0 : i32
    %dma_wait3A_271 = tpu.memref_slice %arg4[%dma_wait3A_257, %dma_wait3A_269, %dma_wait3A_270] : memref<2x16x1024xf32, #tpu.memory_space<vmem>> -> memref<1x16x1024xf32, #tpu.memory_space<vmem>>
    %dma_wait3A_272 = tpu.memref_squeeze %dma_wait3A_271 : memref<1x16x1024xf32, #tpu.memory_space<vmem>> -> memref<16x1024xf32, #tpu.memory_space<vmem>>
    tpu.wait_dma2 semaphore(%dma_wait3A_266 : memref<!tpu.dma_semaphore, #tpu.memory_space<semaphore_mem>>) src(%dma_wait3A_272 : memref<16x1024xf32, #tpu.memory_space<vmem>>) dst(%dma_wait3A_268 : memref<16x1024xf32, #tpu.memory_space<hbm>>)
    %dma_start3A_273 = arith.constant 2 : i32
    %dma_start3A_274 = arith.constant 2 : i32
    %dma_start3A_275 = arith.constant 0 : i32
    %dma_start3A_276 = arith.constant 0 : i32
    %dma_start3A_277 = tpu.memref_slice %arg4[%dma_start3A_273, %dma_start3A_275, %dma_start3A_276] : memref<2x16x1024xf32, #tpu.memory_space<vmem>> -> memref<1x16x1024xf32, #tpu.memory_space<vmem>>
    %dma_start3A_278 = tpu.memref_squeeze %dma_start3A_277 : memref<1x16x1024xf32, #tpu.memory_space<vmem>> -> memref<16x1024xf32, #tpu.memory_space<vmem>>
    %dma_start3A_279 = arith.constant 0 : i32
    %dma_start3A_280 = tpu.memref_slice %arg2[%add3A_16, %dma_start3A_279] : memref<4096x1024xf32, #tpu.memory_space<hbm>> -> memref<16x1024xf32, #tpu.memory_space<hbm>>
    %dma_start3A_281 = tpu.memref_slice %arg5[%dma_start3A_274] : memref<2x!tpu.dma_semaphore, #tpu.memory_space<semaphore_mem>> -> memref<1x!tpu.dma_semaphore, #tpu.memory_space<semaphore_mem>>
    %dma_start3A_282 = tpu.memref_squeeze %dma_start3A_281 : memref<1x!tpu.dma_semaphore, #tpu.memory_space<semaphore_mem>> -> memref<!tpu.dma_semaphore, #tpu.memory_space<semaphore_mem>>
    %dma_start3A_283 = arith.constant 0 : i32
    %dma_start3A_284 = arith.constant 0 : i32
    %dma_start3A_285 = tpu.memref_slice %arg4[%dma_start3A_273, %dma_start3A_283, %dma_start3A_284] : memref<2x16x1024xf32, #tpu.memory_space<vmem>> -> memref<1x16x1024xf32, #tpu.memory_space<vmem>>
    %dma_start3A_286 = tpu.memref_squeeze %dma_start3A_285 : memref<1x16x1024xf32, #tpu.memory_space<vmem>> -> memref<16x1024xf32, #tpu.memory_space<vmem>>
    %dma_start3A_287 = arith.constant 0 : i32
    %dma_start3A_288 = tpu.memref_slice %arg2[%add3A_16, %dma_start3A_287] : memref<4096x1024xf32, #tpu.memory_space<hbm>> -> memref<16x1024xf32, #tpu.memory_space<hbm>>
    tpu.enqueue_dma source(%dma_start3A_288 : memref<16x1024xf32, #tpu.memory_space<hbm>>) target(%dma_start3A_286 : memref<16x1024xf32, #tpu.memory_space<vmem>>) target_semaphore(%dma_start3A_282 : memref<!tpu.dma_semaphore, #tpu.memory_space<semaphore_mem>>)
    %dma_wait3A_289 = arith.constant 3 : i32
    %dma_wait3A_290 = arith.constant 3 : i32
    %dma_wait3A_291 = arith.constant 0 : i32
    %dma_wait3A_292 = arith.constant 0 : i32
    %dma_wait3A_293 = tpu.memref_slice %arg4[%dma_wait3A_289, %dma_wait3A_291, %dma_wait3A_292] : memref<2x16x1024xf32, #tpu.memory_space<vmem>> -> memref<1x16x1024xf32, #tpu.memory_space<vmem>>
    %dma_wait3A_294 = tpu.memref_squeeze %dma_wait3A_293 : memref<1x16x1024xf32, #tpu.memory_space<vmem>> -> memref<16x1024xf32, #tpu.memory_space<vmem>>
    %dma_wait3A_295 = arith.constant 0 : i32
    %dma_wait3A_296 = tpu.memref_slice %arg2[%add3A_10, %dma_wait3A_295] : memref<4096x1024xf32, #tpu.memory_space<hbm>> -> memref<16x1024xf32, #tpu.memory_space<hbm>>
    %dma_wait3A_297 = tpu.memref_slice %arg5[%dma_wait3A_290] : memref<2x!tpu.dma_semaphore, #tpu.memory_space<semaphore_mem>> -> memref<1x!tpu.dma_semaphore, #tpu.memory_space<semaphore_mem>>
    %dma_wait3A_298 = tpu.memref_squeeze %dma_wait3A_297 : memref<1x!tpu.dma_semaphore, #tpu.memory_space<semaphore_mem>> -> memref<!tpu.dma_semaphore, #tpu.memory_space<semaphore_mem>>
    %dma_wait3A_299 = arith.constant 0 : i32
    %dma_wait3A_300 = arith.constant 0 : i32
    %dma_wait3A_301 = tpu.memref_slice %arg4[%dma_wait3A_289, %dma_wait3A_299, %dma_wait3A_300] : memref<2x16x1024xf32, #tpu.memory_space<vmem>> -> memref<1x16x1024xf32, #tpu.memory_space<vmem>>
    %dma_wait3A_302 = tpu.memref_squeeze %dma_wait3A_301 : memref<1x16x1024xf32, #tpu.memory_space<vmem>> -> memref<16x1024xf32, #tpu.memory_space<vmem>>
    %dma_wait3A_303 = arith.constant 0 : i32
    %dma_wait3A_304 = tpu.memref_slice %arg2[%add3A_10, %dma_wait3A_303] : memref<4096x1024xf32, #tpu.memory_space<hbm>> -> memref<16x1024xf32, #tpu.memory_space<hbm>>
    tpu.wait_dma2 semaphore(%dma_wait3A_298 : memref<!tpu.dma_semaphore, #tpu.memory_space<semaphore_mem>>) src(%dma_wait3A_304 : memref<16x1024xf32, #tpu.memory_space<hbm>>) dst(%dma_wait3A_302 : memref<16x1024xf32, #tpu.memory_space<vmem>>)
    %dma_start3A_305 = arith.constant 3 : i32
    %dma_start3A_306 = arith.constant 3 : i32
    %dma_start3A_307 = arith.constant 0 : i32
    %dma_start3A_308 = arith.constant 0 : i32
    %dma_start3A_309 = tpu.memref_slice %arg4[%dma_start3A_305, %dma_start3A_307, %dma_start3A_308] : memref<2x16x1024xf32, #tpu.memory_space<vmem>> -> memref<1x16x1024xf32, #tpu.memory_space<vmem>>
    %dma_start3A_310 = tpu.memref_squeeze %dma_start3A_309 : memref<1x16x1024xf32, #tpu.memory_space<vmem>> -> memref<16x1024xf32, #tpu.memory_space<vmem>>
    %dma_start3A_311 = arith.constant 0 : i32
    %dma_start3A_312 = tpu.memref_slice %arg3[%add3A_26, %dma_start3A_311] : memref<4096x1024xf32, #tpu.memory_space<hbm>> -> memref<16x1024xf32, #tpu.memory_space<hbm>>
    %dma_start3A_313 = tpu.memref_slice %arg6[%dma_start3A_306] : memref<2x!tpu.dma_semaphore, #tpu.memory_space<semaphore_mem>> -> memref<1x!tpu.dma_semaphore, #tpu.memory_space<semaphore_mem>>
    %dma_start3A_314 = tpu.memref_squeeze %dma_start3A_313 : memref<1x!tpu.dma_semaphore, #tpu.memory_space<semaphore_mem>> -> memref<!tpu.dma_semaphore, #tpu.memory_space<semaphore_mem>>
    %dma_start3A_315 = arith.constant 0 : i32
    %dma_start3A_316 = tpu.memref_slice %arg3[%add3A_26, %dma_start3A_315] : memref<4096x1024xf32, #tpu.memory_space<hbm>> -> memref<16x1024xf32, #tpu.memory_space<hbm>>
    %dma_start3A_317 = arith.constant 0 : i32
    %dma_start3A_318 = arith.constant 0 : i32
    %dma_start3A_319 = tpu.memref_slice %arg4[%dma_start3A_305, %dma_start3A_317, %dma_start3A_318] : memref<2x16x1024xf32, #tpu.memory_space<vmem>> -> memref<1x16x1024xf32, #tpu.memory_space<vmem>>
    %dma_start3A_320 = tpu.memref_squeeze %dma_start3A_319 : memref<1x16x1024xf32, #tpu.memory_space<vmem>> -> memref<16x1024xf32, #tpu.memory_space<vmem>>
    tpu.enqueue_dma source(%dma_start3A_320 : memref<16x1024xf32, #tpu.memory_space<vmem>>) target(%dma_start3A_316 : memref<16x1024xf32, #tpu.memory_space<hbm>>) target_semaphore(%dma_start3A_314 : memref<!tpu.dma_semaphore, #tpu.memory_space<semaphore_mem>>)
    %dma_wait3A_321 = arith.constant 3 : i32
    %dma_wait3A_322 = arith.constant 3 : i32
    %dma_wait3A_323 = arith.constant 0 : i32
    %dma_wait3A_324 = arith.constant 0 : i32
    %dma_wait3A_325 = tpu.memref_slice %arg4[%dma_wait3A_321, %dma_wait3A_323, %dma_wait3A_324] : memref<2x16x1024xf32, #tpu.memory_space<vmem>> -> memref<1x16x1024xf32, #tpu.memory_space<vmem>>
    %dma_wait3A_326 = tpu.memref_squeeze %dma_wait3A_325 : memref<1x16x1024xf32, #tpu.memory_space<vmem>> -> memref<16x1024xf32, #tpu.memory_space<vmem>>
    %dma_wait3A_327 = arith.constant 0 : i32
    %dma_wait3A_328 = tpu.memref_slice %arg3[%add3A_26, %dma_wait3A_327] : memref<4096x1024xf32, #tpu.memory_space<hbm>> -> memref<16x1024xf32, #tpu.memory_space<hbm>>
    %dma_wait3A_329 = tpu.memref_slice %arg6[%dma_wait3A_322] : memref<2x!tpu.dma_semaphore, #tpu.memory_space<semaphore_mem>> -> memref<1x!tpu.dma_semaphore, #tpu.memory_space<semaphore_mem>>
    %dma_wait3A_330 = tpu.memref_squeeze %dma_wait3A_329 : memref<1x!tpu.dma_semaphore, #tpu.memory_space<semaphore_mem>> -> memref<!tpu.dma_semaphore, #tpu.memory_space<semaphore_mem>>
    %dma_wait3A_331 = arith.constant 0 : i32
    %dma_wait3A_332 = tpu.memref_slice %arg3[%add3A_26, %dma_wait3A_331] : memref<4096x1024xf32, #tpu.memory_space<hbm>> -> memref<16x1024xf32, #tpu.memory_space<hbm>>
    %dma_wait3A_333 = arith.constant 0 : i32
    %dma_wait3A_334 = arith.constant 0 : i32
    %dma_wait3A_335 = tpu.memref_slice %arg4[%dma_wait3A_321, %dma_wait3A_333, %dma_wait3A_334] : memref<2x16x1024xf32, #tpu.memory_space<vmem>> -> memref<1x16x1024xf32, #tpu.memory_space<vmem>>
    %dma_wait3A_336 = tpu.memref_squeeze %dma_wait3A_335 : memref<1x16x1024xf32, #tpu.memory_space<vmem>> -> memref<16x1024xf32, #tpu.memory_space<vmem>>
    tpu.wait_dma2 semaphore(%dma_wait3A_330 : memref<!tpu.dma_semaphore, #tpu.memory_space<semaphore_mem>>) src(%dma_wait3A_336 : memref<16x1024xf32, #tpu.memory_space<vmem>>) dst(%dma_wait3A_332 : memref<16x1024xf32, #tpu.memory_space<hbm>>)
    %dma_start3A_337 = arith.constant 3 : i32
    %dma_start3A_338 = arith.constant 3 : i32
    %dma_start3A_339 = arith.constant 0 : i32
    %dma_start3A_340 = arith.constant 0 : i32
    %dma_start3A_341 = tpu.memref_slice %arg4[%dma_start3A_337, %dma_start3A_339, %dma_start3A_340] : memref<2x16x1024xf32, #tpu.memory_space<vmem>> -> memref<1x16x1024xf32, #tpu.memory_space<vmem>>
    %dma_start3A_342 = tpu.memref_squeeze %dma_start3A_341 : memref<1x16x1024xf32, #tpu.memory_space<vmem>> -> memref<16x1024xf32, #tpu.memory_space<vmem>>
    %dma_start3A_343 = arith.constant 0 : i32
    %dma_start3A_344 = tpu.memref_slice %arg2[%add3A_18, %dma_start3A_343] : memref<4096x1024xf32, #tpu.memory_space<hbm>> -> memref<16x1024xf32, #tpu.memory_space<hbm>>
    %dma_start3A_345 = tpu.memref_slice %arg5[%dma_start3A_338] : memref<2x!tpu.dma_semaphore, #tpu.memory_space<semaphore_mem>> -> memref<1x!tpu.dma_semaphore, #tpu.memory_space<semaphore_mem>>
    %dma_start3A_346 = tpu.memref_squeeze %dma_start3A_345 : memref<1x!tpu.dma_semaphore, #tpu.memory_space<semaphore_mem>> -> memref<!tpu.dma_semaphore, #tpu.memory_space<semaphore_mem>>
    %dma_start3A_347 = arith.constant 0 : i32
    %dma_start3A_348 = arith.constant 0 : i32
    %dma_start3A_349 = tpu.memref_slice %arg4[%dma_start3A_337, %dma_start3A_347, %dma_start3A_348] : memref<2x16x1024xf32, #tpu.memory_space<vmem>> -> memref<1x16x1024xf32, #tpu.memory_space<vmem>>
    %dma_start3A_350 = tpu.memref_squeeze %dma_start3A_349 : memref<1x16x1024xf32, #tpu.memory_space<vmem>> -> memref<16x1024xf32, #tpu.memory_space<vmem>>
    %dma_start3A_351 = arith.constant 0 : i32
    %dma_start3A_352 = tpu.memref_slice %arg2[%add3A_18, %dma_start3A_351] : memref<4096x1024xf32, #tpu.memory_space<hbm>> -> memref<16x1024xf32, #tpu.memory_space<hbm>>
    tpu.enqueue_dma source(%dma_start3A_352 : memref<16x1024xf32, #tpu.memory_space<hbm>>) target(%dma_start3A_350 : memref<16x1024xf32, #tpu.memory_space<vmem>>) target_semaphore(%dma_start3A_346 : memref<!tpu.dma_semaphore, #tpu.memory_space<semaphore_mem>>)
    %dma_wait3A_353 = arith.constant 0 : i32
    %dma_wait3A_354 = arith.constant 0 : i32
    %dma_wait3A_355 = arith.constant 0 : i32
    %dma_wait3A_356 = arith.constant 0 : i32
    %dma_wait3A_357 = tpu.memref_slice %arg4[%dma_wait3A_353, %dma_wait3A_355, %dma_wait3A_356] : memref<2x16x1024xf32, #tpu.memory_space<vmem>> -> memref<1x16x1024xf32, #tpu.memory_space<vmem>>
    %dma_wait3A_358 = tpu.memref_squeeze %dma_wait3A_357 : memref<1x16x1024xf32, #tpu.memory_space<vmem>> -> memref<16x1024xf32, #tpu.memory_space<vmem>>
    %dma_wait3A_359 = arith.constant 0 : i32
    %dma_wait3A_360 = tpu.memref_slice %arg2[%add3A_12, %dma_wait3A_359] : memref<4096x1024xf32, #tpu.memory_space<hbm>> -> memref<16x1024xf32, #tpu.memory_space<hbm>>
    %dma_wait3A_361 = tpu.memref_slice %arg5[%dma_wait3A_354] : memref<2x!tpu.dma_semaphore, #tpu.memory_space<semaphore_mem>> -> memref<1x!tpu.dma_semaphore, #tpu.memory_space<semaphore_mem>>
    %dma_wait3A_362 = tpu.memref_squeeze %dma_wait3A_361 : memref<1x!tpu.dma_semaphore, #tpu.memory_space<semaphore_mem>> -> memref<!tpu.dma_semaphore, #tpu.memory_space<semaphore_mem>>
    %dma_wait3A_363 = arith.constant 0 : i32
    %dma_wait3A_364 = arith.constant 0 : i32
    %dma_wait3A_365 = tpu.memref_slice %arg4[%dma_wait3A_353, %dma_wait3A_363, %dma_wait3A_364] : memref<2x16x1024xf32, #tpu.memory_space<vmem>> -> memref<1x16x1024xf32, #tpu.memory_space<vmem>>
    %dma_wait3A_366 = tpu.memref_squeeze %dma_wait3A_365 : memref<1x16x1024xf32, #tpu.memory_space<vmem>> -> memref<16x1024xf32, #tpu.memory_space<vmem>>
    %dma_wait3A_367 = arith.constant 0 : i32
    %dma_wait3A_368 = tpu.memref_slice %arg2[%add3A_12, %dma_wait3A_367] : memref<4096x1024xf32, #tpu.memory_space<hbm>> -> memref<16x1024xf32, #tpu.memory_space<hbm>>
    tpu.wait_dma2 semaphore(%dma_wait3A_362 : memref<!tpu.dma_semaphore, #tpu.memory_space<semaphore_mem>>) src(%dma_wait3A_368 : memref<16x1024xf32, #tpu.memory_space<hbm>>) dst(%dma_wait3A_366 : memref<16x1024xf32, #tpu.memory_space<vmem>>)
    %dma_start3A_369 = arith.constant 0 : i32
    %dma_start3A_370 = arith.constant 0 : i32
    %dma_start3A_371 = arith.constant 0 : i32
    %dma_start3A_372 = arith.constant 0 : i32
    %dma_start3A_373 = tpu.memref_slice %arg4[%dma_start3A_369, %dma_start3A_371, %dma_start3A_372] : memref<2x16x1024xf32, #tpu.memory_space<vmem>> -> memref<1x16x1024xf32, #tpu.memory_space<vmem>>
    %dma_start3A_374 = tpu.memref_squeeze %dma_start3A_373 : memref<1x16x1024xf32, #tpu.memory_space<vmem>> -> memref<16x1024xf32, #tpu.memory_space<vmem>>
    %dma_start3A_375 = arith.constant 0 : i32
    %dma_start3A_376 = tpu.memref_slice %arg3[%add3A_28, %dma_start3A_375] : memref<4096x1024xf32, #tpu.memory_space<hbm>> -> memref<16x1024xf32, #tpu.memory_space<hbm>>
    %dma_start3A_377 = tpu.memref_slice %arg6[%dma_start3A_370] : memref<2x!tpu.dma_semaphore, #tpu.memory_space<semaphore_mem>> -> memref<1x!tpu.dma_semaphore, #tpu.memory_space<semaphore_mem>>
    %dma_start3A_378 = tpu.memref_squeeze %dma_start3A_377 : memref<1x!tpu.dma_semaphore, #tpu.memory_space<semaphore_mem>> -> memref<!tpu.dma_semaphore, #tpu.memory_space<semaphore_mem>>
    %dma_start3A_379 = arith.constant 0 : i32
    %dma_start3A_380 = tpu.memref_slice %arg3[%add3A_28, %dma_start3A_379] : memref<4096x1024xf32, #tpu.memory_space<hbm>> -> memref<16x1024xf32, #tpu.memory_space<hbm>>
    %dma_start3A_381 = arith.constant 0 : i32
    %dma_start3A_382 = arith.constant 0 : i32
    %dma_start3A_383 = tpu.memref_slice %arg4[%dma_start3A_369, %dma_start3A_381, %dma_start3A_382] : memref<2x16x1024xf32, #tpu.memory_space<vmem>> -> memref<1x16x1024xf32, #tpu.memory_space<vmem>>
    %dma_start3A_384 = tpu.memref_squeeze %dma_start3A_383 : memref<1x16x1024xf32, #tpu.memory_space<vmem>> -> memref<16x1024xf32, #tpu.memory_space<vmem>>
    tpu.enqueue_dma source(%dma_start3A_384 : memref<16x1024xf32, #tpu.memory_space<vmem>>) target(%dma_start3A_380 : memref<16x1024xf32, #tpu.memory_space<hbm>>) target_semaphore(%dma_start3A_378 : memref<!tpu.dma_semaphore, #tpu.memory_space<semaphore_mem>>)
    %dma_wait3A_385 = arith.constant 1 : i32
    %dma_wait3A_386 = arith.constant 1 : i32
    %dma_wait3A_387 = arith.constant 0 : i32
    %dma_wait3A_388 = arith.constant 0 : i32
    %dma_wait3A_389 = tpu.memref_slice %arg4[%dma_wait3A_385, %dma_wait3A_387, %dma_wait3A_388] : memref<2x16x1024xf32, #tpu.memory_space<vmem>> -> memref<1x16x1024xf32, #tpu.memory_space<vmem>>
    %dma_wait3A_390 = tpu.memref_squeeze %dma_wait3A_389 : memref<1x16x1024xf32, #tpu.memory_space<vmem>> -> memref<16x1024xf32, #tpu.memory_space<vmem>>
    %dma_wait3A_391 = arith.constant 0 : i32
    %dma_wait3A_392 = tpu.memref_slice %arg2[%add3A_14, %dma_wait3A_391] : memref<4096x1024xf32, #tpu.memory_space<hbm>> -> memref<16x1024xf32, #tpu.memory_space<hbm>>
    %dma_wait3A_393 = tpu.memref_slice %arg5[%dma_wait3A_386] : memref<2x!tpu.dma_semaphore, #tpu.memory_space<semaphore_mem>> -> memref<1x!tpu.dma_semaphore, #tpu.memory_space<semaphore_mem>>
    %dma_wait3A_394 = tpu.memref_squeeze %dma_wait3A_393 : memref<1x!tpu.dma_semaphore, #tpu.memory_space<semaphore_mem>> -> memref<!tpu.dma_semaphore, #tpu.memory_space<semaphore_mem>>
    %dma_wait3A_395 = arith.constant 0 : i32
    %dma_wait3A_396 = arith.constant 0 : i32
    %dma_wait3A_397 = tpu.memref_slice %arg4[%dma_wait3A_385, %dma_wait3A_395, %dma_wait3A_396] : memref<2x16x1024xf32, #tpu.memory_space<vmem>> -> memref<1x16x1024xf32, #tpu.memory_space<vmem>>
    %dma_wait3A_398 = tpu.memref_squeeze %dma_wait3A_397 : memref<1x16x1024xf32, #tpu.memory_space<vmem>> -> memref<16x1024xf32, #tpu.memory_space<vmem>>
    %dma_wait3A_399 = arith.constant 0 : i32
    %dma_wait3A_400 = tpu.memref_slice %arg2[%add3A_14, %dma_wait3A_399] : memref<4096x1024xf32, #tpu.memory_space<hbm>> -> memref<16x1024xf32, #tpu.memory_space<hbm>>
    tpu.wait_dma2 semaphore(%dma_wait3A_394 : memref<!tpu.dma_semaphore, #tpu.memory_space<semaphore_mem>>) src(%dma_wait3A_400 : memref<16x1024xf32, #tpu.memory_space<hbm>>) dst(%dma_wait3A_398 : memref<16x1024xf32, #tpu.memory_space<vmem>>)
    %dma_start3A_401 = arith.constant 1 : i32
    %dma_start3A_402 = arith.constant 1 : i32
    %dma_start3A_403 = arith.constant 0 : i32
    %dma_start3A_404 = arith.constant 0 : i32
    %dma_start3A_405 = tpu.memref_slice %arg4[%dma_start3A_401, %dma_start3A_403, %dma_start3A_404] : memref<2x16x1024xf32, #tpu.memory_space<vmem>> -> memref<1x16x1024xf32, #tpu.memory_space<vmem>>
    %dma_start3A_406 = tpu.memref_squeeze %dma_start3A_405 : memref<1x16x1024xf32, #tpu.memory_space<vmem>> -> memref<16x1024xf32, #tpu.memory_space<vmem>>
    %dma_start3A_407 = arith.constant 0 : i32
    %dma_start3A_408 = tpu.memref_slice %arg3[%add3A_30, %dma_start3A_407] : memref<4096x1024xf32, #tpu.memory_space<hbm>> -> memref<16x1024xf32, #tpu.memory_space<hbm>>
    %dma_start3A_409 = tpu.memref_slice %arg6[%dma_start3A_402] : memref<2x!tpu.dma_semaphore, #tpu.memory_space<semaphore_mem>> -> memref<1x!tpu.dma_semaphore, #tpu.memory_space<semaphore_mem>>
    %dma_start3A_410 = tpu.memref_squeeze %dma_start3A_409 : memref<1x!tpu.dma_semaphore, #tpu.memory_space<semaphore_mem>> -> memref<!tpu.dma_semaphore, #tpu.memory_space<semaphore_mem>>
    %dma_start3A_411 = arith.constant 0 : i32
    %dma_start3A_412 = tpu.memref_slice %arg3[%add3A_30, %dma_start3A_411] : memref<4096x1024xf32, #tpu.memory_space<hbm>> -> memref<16x1024xf32, #tpu.memory_space<hbm>>
    %dma_start3A_413 = arith.constant 0 : i32
    %dma_start3A_414 = arith.constant 0 : i32
    %dma_start3A_415 = tpu.memref_slice %arg4[%dma_start3A_401, %dma_start3A_413, %dma_start3A_414] : memref<2x16x1024xf32, #tpu.memory_space<vmem>> -> memref<1x16x1024xf32, #tpu.memory_space<vmem>>
    %dma_start3A_416 = tpu.memref_squeeze %dma_start3A_415 : memref<1x16x1024xf32, #tpu.memory_space<vmem>> -> memref<16x1024xf32, #tpu.memory_space<vmem>>
    tpu.enqueue_dma source(%dma_start3A_416 : memref<16x1024xf32, #tpu.memory_space<vmem>>) target(%dma_start3A_412 : memref<16x1024xf32, #tpu.memory_space<hbm>>) target_semaphore(%dma_start3A_410 : memref<!tpu.dma_semaphore, #tpu.memory_space<semaphore_mem>>)
    %dma_wait3A_417 = arith.constant 2 : i32
    %dma_wait3A_418 = arith.constant 2 : i32
    %dma_wait3A_419 = arith.constant 0 : i32
    %dma_wait3A_420 = arith.constant 0 : i32
    %dma_wait3A_421 = tpu.memref_slice %arg4[%dma_wait3A_417, %dma_wait3A_419, %dma_wait3A_420] : memref<2x16x1024xf32, #tpu.memory_space<vmem>> -> memref<1x16x1024xf32, #tpu.memory_space<vmem>>
    %dma_wait3A_422 = tpu.memref_squeeze %dma_wait3A_421 : memref<1x16x1024xf32, #tpu.memory_space<vmem>> -> memref<16x1024xf32, #tpu.memory_space<vmem>>
    %dma_wait3A_423 = arith.constant 0 : i32
    %dma_wait3A_424 = tpu.memref_slice %arg2[%add3A_16, %dma_wait3A_423] : memref<4096x1024xf32, #tpu.memory_space<hbm>> -> memref<16x1024xf32, #tpu.memory_space<hbm>>
    %dma_wait3A_425 = tpu.memref_slice %arg5[%dma_wait3A_418] : memref<2x!tpu.dma_semaphore, #tpu.memory_space<semaphore_mem>> -> memref<1x!tpu.dma_semaphore, #tpu.memory_space<semaphore_mem>>
    %dma_wait3A_426 = tpu.memref_squeeze %dma_wait3A_425 : memref<1x!tpu.dma_semaphore, #tpu.memory_space<semaphore_mem>> -> memref<!tpu.dma_semaphore, #tpu.memory_space<semaphore_mem>>
    %dma_wait3A_427 = arith.constant 0 : i32
    %dma_wait3A_428 = arith.constant 0 : i32
    %dma_wait3A_429 = tpu.memref_slice %arg4[%dma_wait3A_417, %dma_wait3A_427, %dma_wait3A_428] : memref<2x16x1024xf32, #tpu.memory_space<vmem>> -> memref<1x16x1024xf32, #tpu.memory_space<vmem>>
    %dma_wait3A_430 = tpu.memref_squeeze %dma_wait3A_429 : memref<1x16x1024xf32, #tpu.memory_space<vmem>> -> memref<16x1024xf32, #tpu.memory_space<vmem>>
    %dma_wait3A_431 = arith.constant 0 : i32
    %dma_wait3A_432 = tpu.memref_slice %arg2[%add3A_16, %dma_wait3A_431] : memref<4096x1024xf32, #tpu.memory_space<hbm>> -> memref<16x1024xf32, #tpu.memory_space<hbm>>
    tpu.wait_dma2 semaphore(%dma_wait3A_426 : memref<!tpu.dma_semaphore, #tpu.memory_space<semaphore_mem>>) src(%dma_wait3A_432 : memref<16x1024xf32, #tpu.memory_space<hbm>>) dst(%dma_wait3A_430 : memref<16x1024xf32, #tpu.memory_space<vmem>>)
    %dma_start3A_433 = arith.constant 2 : i32
    %dma_start3A_434 = arith.constant 2 : i32
    %dma_start3A_435 = arith.constant 0 : i32
    %dma_start3A_436 = arith.constant 0 : i32
    %dma_start3A_437 = tpu.memref_slice %arg4[%dma_start3A_433, %dma_start3A_435, %dma_start3A_436] : memref<2x16x1024xf32, #tpu.memory_space<vmem>> -> memref<1x16x1024xf32, #tpu.memory_space<vmem>>
    %dma_start3A_438 = tpu.memref_squeeze %dma_start3A_437 : memref<1x16x1024xf32, #tpu.memory_space<vmem>> -> memref<16x1024xf32, #tpu.memory_space<vmem>>
    %dma_start3A_439 = arith.constant 0 : i32
    %dma_start3A_440 = tpu.memref_slice %arg3[%add3A_32, %dma_start3A_439] : memref<4096x1024xf32, #tpu.memory_space<hbm>> -> memref<16x1024xf32, #tpu.memory_space<hbm>>
    %dma_start3A_441 = tpu.memref_slice %arg6[%dma_start3A_434] : memref<2x!tpu.dma_semaphore, #tpu.memory_space<semaphore_mem>> -> memref<1x!tpu.dma_semaphore, #tpu.memory_space<semaphore_mem>>
    %dma_start3A_442 = tpu.memref_squeeze %dma_start3A_441 : memref<1x!tpu.dma_semaphore, #tpu.memory_space<semaphore_mem>> -> memref<!tpu.dma_semaphore, #tpu.memory_space<semaphore_mem>>
    %dma_start3A_443 = arith.constant 0 : i32
    %dma_start3A_444 = tpu.memref_slice %arg3[%add3A_32, %dma_start3A_443] : memref<4096x1024xf32, #tpu.memory_space<hbm>> -> memref<16x1024xf32, #tpu.memory_space<hbm>>
    %dma_start3A_445 = arith.constant 0 : i32
    %dma_start3A_446 = arith.constant 0 : i32
    %dma_start3A_447 = tpu.memref_slice %arg4[%dma_start3A_433, %dma_start3A_445, %dma_start3A_446] : memref<2x16x1024xf32, #tpu.memory_space<vmem>> -> memref<1x16x1024xf32, #tpu.memory_space<vmem>>
    %dma_start3A_448 = tpu.memref_squeeze %dma_start3A_447 : memref<1x16x1024xf32, #tpu.memory_space<vmem>> -> memref<16x1024xf32, #tpu.memory_space<vmem>>
    tpu.enqueue_dma source(%dma_start3A_448 : memref<16x1024xf32, #tpu.memory_space<vmem>>) target(%dma_start3A_444 : memref<16x1024xf32, #tpu.memory_space<hbm>>) target_semaphore(%dma_start3A_442 : memref<!tpu.dma_semaphore, #tpu.memory_space<semaphore_mem>>)
    %dma_wait3A_449 = arith.constant 3 : i32
    %dma_wait3A_450 = arith.constant 3 : i32
    %dma_wait3A_451 = arith.constant 0 : i32
    %dma_wait3A_452 = arith.constant 0 : i32
    %dma_wait3A_453 = tpu.memref_slice %arg4[%dma_wait3A_449, %dma_wait3A_451, %dma_wait3A_452] : memref<2x16x1024xf32, #tpu.memory_space<vmem>> -> memref<1x16x1024xf32, #tpu.memory_space<vmem>>
    %dma_wait3A_454 = tpu.memref_squeeze %dma_wait3A_453 : memref<1x16x1024xf32, #tpu.memory_space<vmem>> -> memref<16x1024xf32, #tpu.memory_space<vmem>>
    %dma_wait3A_455 = arith.constant 0 : i32
    %dma_wait3A_456 = tpu.memref_slice %arg2[%add3A_18, %dma_wait3A_455] : memref<4096x1024xf32, #tpu.memory_space<hbm>> -> memref<16x1024xf32, #tpu.memory_space<hbm>>
    %dma_wait3A_457 = tpu.memref_slice %arg5[%dma_wait3A_450] : memref<2x!tpu.dma_semaphore, #tpu.memory_space<semaphore_mem>> -> memref<1x!tpu.dma_semaphore, #tpu.memory_space<semaphore_mem>>
    %dma_wait3A_458 = tpu.memref_squeeze %dma_wait3A_457 : memref<1x!tpu.dma_semaphore, #tpu.memory_space<semaphore_mem>> -> memref<!tpu.dma_semaphore, #tpu.memory_space<semaphore_mem>>
    %dma_wait3A_459 = arith.constant 0 : i32
    %dma_wait3A_460 = arith.constant 0 : i32
    %dma_wait3A_461 = tpu.memref_slice %arg4[%dma_wait3A_449, %dma_wait3A_459, %dma_wait3A_460] : memref<2x16x1024xf32, #tpu.memory_space<vmem>> -> memref<1x16x1024xf32, #tpu.memory_space<vmem>>
    %dma_wait3A_462 = tpu.memref_squeeze %dma_wait3A_461 : memref<1x16x1024xf32, #tpu.memory_space<vmem>> -> memref<16x1024xf32, #tpu.memory_space<vmem>>
    %dma_wait3A_463 = arith.constant 0 : i32
    %dma_wait3A_464 = tpu.memref_slice %arg2[%add3A_18, %dma_wait3A_463] : memref<4096x1024xf32, #tpu.memory_space<hbm>> -> memref<16x1024xf32, #tpu.memory_space<hbm>>
    tpu.wait_dma2 semaphore(%dma_wait3A_458 : memref<!tpu.dma_semaphore, #tpu.memory_space<semaphore_mem>>) src(%dma_wait3A_464 : memref<16x1024xf32, #tpu.memory_space<hbm>>) dst(%dma_wait3A_462 : memref<16x1024xf32, #tpu.memory_space<vmem>>)
    %dma_start3A_465 = arith.constant 3 : i32
    %dma_start3A_466 = arith.constant 3 : i32
    %dma_start3A_467 = arith.constant 0 : i32
    %dma_start3A_468 = arith.constant 0 : i32
    %dma_start3A_469 = tpu.memref_slice %arg4[%dma_start3A_465, %dma_start3A_467, %dma_start3A_468] : memref<2x16x1024xf32, #tpu.memory_space<vmem>> -> memref<1x16x1024xf32, #tpu.memory_space<vmem>>
    %dma_start3A_470 = tpu.memref_squeeze %dma_start3A_469 : memref<1x16x1024xf32, #tpu.memory_space<vmem>> -> memref<16x1024xf32, #tpu.memory_space<vmem>>
    %dma_start3A_471 = arith.constant 0 : i32
    %dma_start3A_472 = tpu.memref_slice %arg3[%add3A_34, %dma_start3A_471] : memref<4096x1024xf32, #tpu.memory_space<hbm>> -> memref<16x1024xf32, #tpu.memory_space<hbm>>
    %dma_start3A_473 = tpu.memref_slice %arg6[%dma_start3A_466] : memref<2x!tpu.dma_semaphore, #tpu.memory_space<semaphore_mem>> -> memref<1x!tpu.dma_semaphore, #tpu.memory_space<semaphore_mem>>
    %dma_start3A_474 = tpu.memref_squeeze %dma_start3A_473 : memref<1x!tpu.dma_semaphore, #tpu.memory_space<semaphore_mem>> -> memref<!tpu.dma_semaphore, #tpu.memory_space<semaphore_mem>>
    %dma_start3A_475 = arith.constant 0 : i32
    %dma_start3A_476 = tpu.memref_slice %arg3[%add3A_34, %dma_start3A_475] : memref<4096x1024xf32, #tpu.memory_space<hbm>> -> memref<16x1024xf32, #tpu.memory_space<hbm>>
    %dma_start3A_477 = arith.constant 0 : i32
    %dma_start3A_478 = arith.constant 0 : i32
    %dma_start3A_479 = tpu.memref_slice %arg4[%dma_start3A_465, %dma_start3A_477, %dma_start3A_478] : memref<2x16x1024xf32, #tpu.memory_space<vmem>> -> memref<1x16x1024xf32, #tpu.memory_space<vmem>>
    %dma_start3A_480 = tpu.memref_squeeze %dma_start3A_479 : memref<1x16x1024xf32, #tpu.memory_space<vmem>> -> memref<16x1024xf32, #tpu.memory_space<vmem>>
    tpu.enqueue_dma source(%dma_start3A_480 : memref<16x1024xf32, #tpu.memory_space<vmem>>) target(%dma_start3A_476 : memref<16x1024xf32, #tpu.memory_space<hbm>>) target_semaphore(%dma_start3A_474 : memref<!tpu.dma_semaphore, #tpu.memory_space<semaphore_mem>>)
    %dma_wait3A_481 = arith.constant 0 : i32
    %dma_wait3A_482 = arith.constant 0 : i32
    %dma_wait3A_483 = arith.constant 0 : i32
    %dma_wait3A_484 = arith.constant 0 : i32
    %dma_wait3A_485 = tpu.memref_slice %arg4[%dma_wait3A_481, %dma_wait3A_483, %dma_wait3A_484] : memref<2x16x1024xf32, #tpu.memory_space<vmem>> -> memref<1x16x1024xf32, #tpu.memory_space<vmem>>
    %dma_wait3A_486 = tpu.memref_squeeze %dma_wait3A_485 : memref<1x16x1024xf32, #tpu.memory_space<vmem>> -> memref<16x1024xf32, #tpu.memory_space<vmem>>
    %dma_wait3A_487 = arith.constant 0 : i32
    %dma_wait3A_488 = tpu.memref_slice %arg3[%add3A_28, %dma_wait3A_487] : memref<4096x1024xf32, #tpu.memory_space<hbm>> -> memref<16x1024xf32, #tpu.memory_space<hbm>>
    %dma_wait3A_489 = tpu.memref_slice %arg6[%dma_wait3A_482] : memref<2x!tpu.dma_semaphore, #tpu.memory_space<semaphore_mem>> -> memref<1x!tpu.dma_semaphore, #tpu.memory_space<semaphore_mem>>
    %dma_wait3A_490 = tpu.memref_squeeze %dma_wait3A_489 : memref<1x!tpu.dma_semaphore, #tpu.memory_space<semaphore_mem>> -> memref<!tpu.dma_semaphore, #tpu.memory_space<semaphore_mem>>
    %dma_wait3A_491 = arith.constant 0 : i32
    %dma_wait3A_492 = tpu.memref_slice %arg3[%add3A_28, %dma_wait3A_491] : memref<4096x1024xf32, #tpu.memory_space<hbm>> -> memref<16x1024xf32, #tpu.memory_space<hbm>>
    %dma_wait3A_493 = arith.constant 0 : i32
    %dma_wait3A_494 = arith.constant 0 : i32
    %dma_wait3A_495 = tpu.memref_slice %arg4[%dma_wait3A_481, %dma_wait3A_493, %dma_wait3A_494] : memref<2x16x1024xf32, #tpu.memory_space<vmem>> -> memref<1x16x1024xf32, #tpu.memory_space<vmem>>
    %dma_wait3A_496 = tpu.memref_squeeze %dma_wait3A_495 : memref<1x16x1024xf32, #tpu.memory_space<vmem>> -> memref<16x1024xf32, #tpu.memory_space<vmem>>
    tpu.wait_dma2 semaphore(%dma_wait3A_490 : memref<!tpu.dma_semaphore, #tpu.memory_space<semaphore_mem>>) src(%dma_wait3A_496 : memref<16x1024xf32, #tpu.memory_space<vmem>>) dst(%dma_wait3A_492 : memref<16x1024xf32, #tpu.memory_space<hbm>>)
    %dma_wait3A_497 = arith.constant 1 : i32
    %dma_wait3A_498 = arith.constant 1 : i32
    %dma_wait3A_499 = arith.constant 0 : i32
    %dma_wait3A_500 = arith.constant 0 : i32
    %dma_wait3A_501 = tpu.memref_slice %arg4[%dma_wait3A_497, %dma_wait3A_499, %dma_wait3A_500] : memref<2x16x1024xf32, #tpu.memory_space<vmem>> -> memref<1x16x1024xf32, #tpu.memory_space<vmem>>
    %dma_wait3A_502 = tpu.memref_squeeze %dma_wait3A_501 : memref<1x16x1024xf32, #tpu.memory_space<vmem>> -> memref<16x1024xf32, #tpu.memory_space<vmem>>
    %dma_wait3A_503 = arith.constant 0 : i32
    %dma_wait3A_504 = tpu.memref_slice %arg3[%add3A_30, %dma_wait3A_503] : memref<4096x1024xf32, #tpu.memory_space<hbm>> -> memref<16x1024xf32, #tpu.memory_space<hbm>>
    %dma_wait3A_505 = tpu.memref_slice %arg6[%dma_wait3A_498] : memref<2x!tpu.dma_semaphore, #tpu.memory_space<semaphore_mem>> -> memref<1x!tpu.dma_semaphore, #tpu.memory_space<semaphore_mem>>
    %dma_wait3A_506 = tpu.memref_squeeze %dma_wait3A_505 : memref<1x!tpu.dma_semaphore, #tpu.memory_space<semaphore_mem>> -> memref<!tpu.dma_semaphore, #tpu.memory_space<semaphore_mem>>
    %dma_wait3A_507 = arith.constant 0 : i32
    %dma_wait3A_508 = tpu.memref_slice %arg3[%add3A_30, %dma_wait3A_507] : memref<4096x1024xf32, #tpu.memory_space<hbm>> -> memref<16x1024xf32, #tpu.memory_space<hbm>>
    %dma_wait3A_509 = arith.constant 0 : i32
    %dma_wait3A_510 = arith.constant 0 : i32
    %dma_wait3A_511 = tpu.memref_slice %arg4[%dma_wait3A_497, %dma_wait3A_509, %dma_wait3A_510] : memref<2x16x1024xf32, #tpu.memory_space<vmem>> -> memref<1x16x1024xf32, #tpu.memory_space<vmem>>
    %dma_wait3A_512 = tpu.memref_squeeze %dma_wait3A_511 : memref<1x16x1024xf32, #tpu.memory_space<vmem>> -> memref<16x1024xf32, #tpu.memory_space<vmem>>
    tpu.wait_dma2 semaphore(%dma_wait3A_506 : memref<!tpu.dma_semaphore, #tpu.memory_space<semaphore_mem>>) src(%dma_wait3A_512 : memref<16x1024xf32, #tpu.memory_space<vmem>>) dst(%dma_wait3A_508 : memref<16x1024xf32, #tpu.memory_space<hbm>>)
    %dma_wait3A_513 = arith.constant 2 : i32
    %dma_wait3A_514 = arith.constant 2 : i32
    %dma_wait3A_515 = arith.constant 0 : i32
    %dma_wait3A_516 = arith.constant 0 : i32
    %dma_wait3A_517 = tpu.memref_slice %arg4[%dma_wait3A_513, %dma_wait3A_515, %dma_wait3A_516] : memref<2x16x1024xf32, #tpu.memory_space<vmem>> -> memref<1x16x1024xf32, #tpu.memory_space<vmem>>
    %dma_wait3A_518 = tpu.memref_squeeze %dma_wait3A_517 : memref<1x16x1024xf32, #tpu.memory_space<vmem>> -> memref<16x1024xf32, #tpu.memory_space<vmem>>
    %dma_wait3A_519 = arith.constant 0 : i32
    %dma_wait3A_520 = tpu.memref_slice %arg3[%add3A_32, %dma_wait3A_519] : memref<4096x1024xf32, #tpu.memory_space<hbm>> -> memref<16x1024xf32, #tpu.memory_space<hbm>>
    %dma_wait3A_521 = tpu.memref_slice %arg6[%dma_wait3A_514] : memref<2x!tpu.dma_semaphore, #tpu.memory_space<semaphore_mem>> -> memref<1x!tpu.dma_semaphore, #tpu.memory_space<semaphore_mem>>
    %dma_wait3A_522 = tpu.memref_squeeze %dma_wait3A_521 : memref<1x!tpu.dma_semaphore, #tpu.memory_space<semaphore_mem>> -> memref<!tpu.dma_semaphore, #tpu.memory_space<semaphore_mem>>
    %dma_wait3A_523 = arith.constant 0 : i32
    %dma_wait3A_524 = tpu.memref_slice %arg3[%add3A_32, %dma_wait3A_523] : memref<4096x1024xf32, #tpu.memory_space<hbm>> -> memref<16x1024xf32, #tpu.memory_space<hbm>>
    %dma_wait3A_525 = arith.constant 0 : i32
    %dma_wait3A_526 = arith.constant 0 : i32
    %dma_wait3A_527 = tpu.memref_slice %arg4[%dma_wait3A_513, %dma_wait3A_525, %dma_wait3A_526] : memref<2x16x1024xf32, #tpu.memory_space<vmem>> -> memref<1x16x1024xf32, #tpu.memory_space<vmem>>
    %dma_wait3A_528 = tpu.memref_squeeze %dma_wait3A_527 : memref<1x16x1024xf32, #tpu.memory_space<vmem>> -> memref<16x1024xf32, #tpu.memory_space<vmem>>
    tpu.wait_dma2 semaphore(%dma_wait3A_522 : memref<!tpu.dma_semaphore, #tpu.memory_space<semaphore_mem>>) src(%dma_wait3A_528 : memref<16x1024xf32, #tpu.memory_space<vmem>>) dst(%dma_wait3A_524 : memref<16x1024xf32, #tpu.memory_space<hbm>>)
    %dma_wait3A_529 = arith.constant 3 : i32
    %dma_wait3A_530 = arith.constant 3 : i32
    %dma_wait3A_531 = arith.constant 0 : i32
    %dma_wait3A_532 = arith.constant 0 : i32
    %dma_wait3A_533 = tpu.memref_slice %arg4[%dma_wait3A_529, %dma_wait3A_531, %dma_wait3A_532] : memref<2x16x1024xf32, #tpu.memory_space<vmem>> -> memref<1x16x1024xf32, #tpu.memory_space<vmem>>
    %dma_wait3A_534 = tpu.memref_squeeze %dma_wait3A_533 : memref<1x16x1024xf32, #tpu.memory_space<vmem>> -> memref<16x1024xf32, #tpu.memory_space<vmem>>
    %dma_wait3A_535 = arith.constant 0 : i32
    %dma_wait3A_536 = tpu.memref_slice %arg3[%add3A_34, %dma_wait3A_535] : memref<4096x1024xf32, #tpu.memory_space<hbm>> -> memref<16x1024xf32, #tpu.memory_space<hbm>>
    %dma_wait3A_537 = tpu.memref_slice %arg6[%dma_wait3A_530] : memref<2x!tpu.dma_semaphore, #tpu.memory_space<semaphore_mem>> -> memref<1x!tpu.dma_semaphore, #tpu.memory_space<semaphore_mem>>
    %dma_wait3A_538 = tpu.memref_squeeze %dma_wait3A_537 : memref<1x!tpu.dma_semaphore, #tpu.memory_space<semaphore_mem>> -> memref<!tpu.dma_semaphore, #tpu.memory_space<semaphore_mem>>
    %dma_wait3A_539 = arith.constant 0 : i32
    %dma_wait3A_540 = tpu.memref_slice %arg3[%add3A_34, %dma_wait3A_539] : memref<4096x1024xf32, #tpu.memory_space<hbm>> -> memref<16x1024xf32, #tpu.memory_space<hbm>>
    %dma_wait3A_541 = arith.constant 0 : i32
    %dma_wait3A_542 = arith.constant 0 : i32
    %dma_wait3A_543 = tpu.memref_slice %arg4[%dma_wait3A_529, %dma_wait3A_541, %dma_wait3A_542] : memref<2x16x1024xf32, #tpu.memory_space<vmem>> -> memref<1x16x1024xf32, #tpu.memory_space<vmem>>
    %dma_wait3A_544 = tpu.memref_squeeze %dma_wait3A_543 : memref<1x16x1024xf32, #tpu.memory_space<vmem>> -> memref<16x1024xf32, #tpu.memory_space<vmem>>
    tpu.wait_dma2 semaphore(%dma_wait3A_538 : memref<!tpu.dma_semaphore, #tpu.memory_space<semaphore_mem>>) src(%dma_wait3A_544 : memref<16x1024xf32, #tpu.memory_space<vmem>>) dst(%dma_wait3A_540 : memref<16x1024xf32, #tpu.memory_space<hbm>>)
    return
  }
}

</mosaic_0001>

<sc_bundles>
// kernel: kernel.3.cloned.1.call-start
scs
__scs_entry_jumppad:
0x0: {  	(pc) =	sbr.rel $0x88, $3  }
0x1: {  	(tag) =	ssettag $0x0;
	lr =	simm.s32 $0x1  }
0x2: {  	[smem:$0x3FA0] =	sst lr;
	_ =	strace $0xD0000000  }
0x3: {  	_ = 	snop  }
0x4: {  	_ = 	snop  }
0x5: {  	_ = 	snop  }
0x6: {  	_ = 	snop  }
0x7: {  	_ = 	snop  }
__scs_overlays_trampoline_lowered:
0x8: {  	[smem:$0x3FAF] =	sst s0  }
0x9: {  	[smem:$0x3FB0] =	sst s1  }
0xa: {  	[smem:$0x3FB1] =	sst s2  }
0xb: {  	[smem:$0x3FB2] =	sst s3  }
0xc: {  	[smem:$0x3FB3] =	sst s4  }
0xd: {  	[smem:$0x3FB4] =	sst s5  }
0xe: {  	[smem:$0x3FB5] =	sst s6  }
0xf: {  	[smem:$0x3FB6] =	sst s7  }
0x10: {  	[smem:$0x3FB7] =	sst s8  }
0x11: {  	[smem:$0x3FB8] =	sst s9;
	s0 =	simm.s32 @!p0 $0x0  }
0x12: {  	s1 =	sld [smem:$0x3F9E];
	s0 =	simm.s32 @p0 $0x1  }
0x13: {  	[smem:$0x3FB9] =	sst s0;
	s0 =	simm.s32 @!p1 $0x0  }
0x14: {  	s2 =	sld [smem:$0x3F9D];
	s0 =	simm.s32 @p1 $0x1  }
0x15: {  	[smem:$0x3FBA] =	sst s0;
	s0 =	simm.s32 @!p2 $0x0  }
0x16: {  	s3 =	sld [smem:$0x3FDB];
	s0 =	simm.s32 @p2 $0x1  }
0x17: {  	s4 =	simm.s32 $0x1BF5;
	[smem:$0x3FBC] =	sst s0  }
0x18: {  	s0 =	sld [smem:$0x3F9F];
	_ =	swait.ge [sflag:s4], $0x0  }
0x19: {  	s7 =	sld [smem:$0x3FA0]  }
0x1a: {  	s8 =	sadd.s32 $0xFFFFE003, lr  }
0x1b: {  	s9 =	sadd.s32 $0xFFFFFEF7, lr;
	s5 =	simm.s32 $0xFFFFFFFF;
	p2 =	slt.u32 s8, $0xFFFFF086  }
0x1c: {  	p1 =	slt.u32 s9, $0xF7A;
	s5 =	simm.s32 @!p2 $0x0  }
0x1d: {  	s5 =	simm.s32 @p1 $0x1;
	p0 =	seq.s32 s7, s2  }
0x1e: {  	s7 =	smul.u32 @!p0 $0xF7A, s2;
	p2 =	seq.s32 @!p0 s5, $0x0  }
0x1f: {  	s9 =	smul.u32 $0xF7A, s1;
	s8 =	simm.s32 @!p0 $0x1BF5;
	p2 =	por !p2, p0  }
0x20: {  	[sflag:s8] =	ssyncset.s32 @!p0 $0xFFFFF086;
	s6 =	sadd.s32 @!p0 s3, s7;
	s7 =	simm.s32 @!p0 $0x108  }
0x21: {  	s3 =	sadd.s32 s3, s9;
	s6 =	sadd.s32 @!p0 $0x88, s6;
	s7 =	simm.s32 @p2 $0x1082  }
0x22: {  	[simem:s7], [sflag:s8] =	dma.local @!p0 [hbm:s6], $0xF7A  }
0x23: {  	s9 =	sor.u32 $0xD0000000, s2;
	s6 =	simm.s32 $0x108;
	_ =	swait.ge @!p0 [sflag:s8], $0x0  }
0x24: {  	s3 =	sadd.s32 $0x88, s3;
	s6 =	simm.s32 @!p1 $0x1082;
	[sflag:s4] =	ssyncset.s32 $0xFFFFF086  }
0x25: {  	[simem:s6], [sflag:s4] =	dma.local [hbm:s3], $0xF7A  }
0x26: {  	[smem:$0x3FA0] =	sst s1;
	(tag) =	ssettag s2;
	_ =	strace s9  }
0x27: {  	s1 =	sld [smem:$0x3FB0]  }
0x28: {  	s2 =	sld [smem:$0x3FB1]  }
0x29: {  	s4 =	sld [smem:$0x3FB3]  }
0x2a: {  	p0 =	seq.s32 s5, $0x0;
	s5 =	sld [smem:$0x3FB4]  }
0x2b: {  	s6 =	sld [smem:$0x3FB5]  }
0x2c: {  	s7 =	sld [smem:$0x3FB6]  }
0x2d: {  	s3 =	simm.s32 $0x108;
	s8 =	sld [smem:$0x3FB7]  }
0x2e: {  	s3 =	simm.s32 @!p0 $0x1082;
	s9 =	sld [smem:$0x3FB8]  }
0x2f: {  	lr =	sadd.s32 s0, s3;
	s0 =	sld [smem:$0x3FAF]  }
0x30: {  	s3 =	sld [smem:$0x3FB2]  }
0x31: {  	[smem:$0x3FBB] =	sst s10  }
0x32: {  	s10 =	sld [smem:$0x3FB9];
	_ =	sdelay $0x3  }
0x33: {  	p0 =	seq.s32 s10, $0x1;
	s10 =	sld [smem:$0x3FBB];
	_ =	sdelay $0x3  }
0x34: {  	[smem:$0x3FBB] =	sst s10  }
0x35: {  	s10 =	sld [smem:$0x3FBA];
	_ =	sdelay $0x3  }
0x36: {  	p1 =	seq.s32 s10, $0x1;
	s10 =	sld [smem:$0x3FBB];
	_ =	sdelay $0x3  }
0x37: {  	[smem:$0x3FBB] =	sst s10  }
0x38: {  	s10 =	sld [smem:$0x3FBC]  }
0x39: {  	_ = 	snop;
	(pc) =	sbr.ind lr, $3  }
0x3a: {  	_ = 	snop  }
0x3b: {  	_ = 	snop  }
0x3c: {  	p2 =	seq.s32 s10, $0x1;
	s10 =	sld [smem:$0x3FBB]  }
0x3d: {  	_ =	shalt  }
0x3e: {  	_ =	shalt  }
0x3f: {  	_ =	shalt  }
0x40: {  	_ =	shalt  }
0x41: {  	_ =	shalt  }
0x42: {  	_ =	shalt  }
0x43: {  	_ =	shalt  }
0x44: {  	_ =	shalt  }
0x45: {  	_ =	shalt  }
0x46: {  	_ =	shalt  }
0x47: {  	_ =	shalt  }
0x48: {  	_ =	shalt  }
0x49: {  	_ =	shalt  }
0x4a: {  	_ =	shalt  }
0x4b: {  	_ =	shalt  }
0x4c: {  	_ =	shalt  }
0x4d: {  	_ =	shalt  }
0x4e: {  	_ =	shalt  }
0x4f: {  	_ =	shalt  }
0x50: {  	_ =	shalt  }
0x51: {  	_ =	shalt  }
0x52: {  	_ =	shalt  }
0x53: {  	_ =	shalt  }
0x54: {  	_ =	shalt  }
0x55: {  	_ =	shalt  }
0x56: {  	_ =	shalt  }
0x57: {  	_ =	shalt  }
0x58: {  	_ =	shalt  }
0x59: {  	_ =	shalt  }
0x5a: {  	_ =	shalt  }
0x5b: {  	_ =	shalt  }
0x5c: {  	_ =	shalt  }
0x5d: {  	_ =	shalt  }
0x5e: {  	_ =	shalt  }
0x5f: {  	_ =	shalt  }
0x60: {  	_ =	shalt  }
0x61: {  	_ =	shalt  }
0x62: {  	_ =	shalt  }
0x63: {  	_ =	shalt  }
0x64: {  	_ =	shalt  }
0x65: {  	_ =	shalt  }
0x66: {  	_ =	shalt  }
0x67: {  	_ =	shalt  }
0x68: {  	_ =	shalt  }
0x69: {  	_ =	shalt  }
0x6a: {  	_ =	shalt  }
0x6b: {  	_ =	shalt  }
0x6c: {  	_ =	shalt  }
0x6d: {  	_ =	shalt  }
0x6e: {  	_ =	shalt  }
0x6f: {  	_ =	shalt  }
0x70: {  	_ =	shalt  }
0x71: {  	_ =	shalt  }
0x72: {  	_ =	shalt  }
0x73: {  	_ =	shalt  }
0x74: {  	_ =	shalt  }
0x75: {  	_ =	shalt  }
0x76: {  	_ =	shalt  }
0x77: {  	_ =	shalt  }
0x78: {  	_ =	shalt  }
0x79: {  	_ =	shalt  }
0x7a: {  	_ =	shalt  }
0x7b: {  	_ =	shalt  }
0x7c: {  	_ =	shalt  }
0x7d: {  	_ =	shalt  }
0x7e: {  	_ =	shalt  }
0x7f: {  	_ =	shalt  }
0x80: {  	_ =	shalt  }
0x81: {  	_ =	shalt  }
0x82: {  	_ =	shalt  }
0x83: {  	_ =	shalt  }
0x84: {  	_ =	shalt  }
0x85: {  	_ =	shalt  }
0x86: {  	_ =	shalt  }
0x87: {  	_ =	shalt  }
.Lfunc_end0:
.L_simem_size_0:
called_computation_lowered:
.L_overlay_start_0:
0x88: {  	s2 =	sld [smem:$0x3FD9]  }
0x89: {  	s3 =	sld [smem:$0x3FFE];
	_ =	sdelay $0x1  }
0x8a: {  	s1 =	srdreg.scid  }
0x8b: {  	s0 =	sand.u32 $0x1, s1  }
0x8c: {  	s18 =	sshll.u32 s0, $0xA;
	s2 =	sadd.s32 s3, s2  }
0x8d: {  	s2 =	sadd.s32 s2, s18  }
0x8e: {  	[smem:$0x3FC7] =	sst s2  }
0x8f: {  	_ = 	snop  }
0x90: {  	s2 =	sld [smem:$0x3FC9]  }
0x91: {  	s19 =	sld [smem:$0x3FD0];
	(tm) =	ssettm $0x1  }
0x92: {  	s4 =	sld [smem:$0x3FFB];
	_ =	sdelay $0x3  }
0x93: {  	_ =	strace s4  }
0x94: {  	s4 =	sld [smem:$0x3FFC];
	_ =	sdelay $0x3  }
0x95: {  	_ =	strace s4  }
0x96: {  	s4 =	sld [smem:$0x3FFD];
	_ =	sdelay $0x3  }
0x97: {  	_ =	strace s4  }
0x98: {  	_ =	strace $0x8FFFFFFF  }
0x99: {  	s20 =	sld [smem:$0x3FDB];
	_ =	sdelay $0x1  }
0x9a: {  	s5 =	simm.s32 $_scs_section_size  }
0x9b: {  	s6 =	simm.s32 $_size__tile_overlayer_lowered;
	s7 =	simm.s32 $_tile_overlayer_lowered  }
0x9c: {  	s23 =	simm.s32 $0x1BFF;
	s22 =	sshll.u32 s7, $0x1;
	s4 =	sadd.s32 s5, s20  }
0x9d: {  	s8 =	simm.s32 $0x0;
	s21 =	sshll.u32 s6, $0x1;
	s6 =	sadd.s32 s22, s4  }
0x9e: {  	[timem:s8], [sflag:s23] =	dma.local [hbm:s6], s21  }
0x9f: {  	_ =	swait.ge [sflag:s23], s21  }
0xa0: {  	s5 =	ssub.s32 $0x0, s21;
	[sflag:s23] =	ssyncset.done $0x0  }
0xa1: {  	[sflag:s23] =	ssyncadd.s32 s5;
	_ =	sdelay $0x1  }
0xa2: {  	s24 =	simm.s32 $0x1B8B  }
0xa3: {  	_ =	swait.ge [sflag:s24], $0x1  }
0xa4: {  	[sflag:s24] =	ssyncset.done $0x0  }
0xa5: {  	s25 =	simm.s32 $0x1B8E;
	[sflag:s24] =	ssyncadd.s32 $0xFFFFFFFF  }
0xa6: {  	s26 =	simm.s32 $execute0_lowered;
	[smem:$0x3FD2] =	sst s25  }
0xa7: {  	s5 =	sshll.u32 s26, $0x1;
	_ =	strace $0x80000046;
	[dreg:$0x1] =	wrdreg $0xFFFFFFFF  }
0xa8: {  	s28 =	simm.s32 $_size_execute0_lowered;
	s4 =	sadd.s32 s4, s5;
	[dreg:$0x0] =	wrdreg $0x0  }
0xa9: {  	s5 =	sshll.u32 s28, $0x1;
	[dreg:$0x2] =	wrdreg s4  }
0xaa: {  	[dreg:$0x3] =	wrdreg s5  }
0xab: {  	[dreg:$0x4] =	wrdreg $0xC0  }
0xac: {  	_ =	task [dreg:s8], $0x5FFFF  }
0xad: {  	[dreg:$0x1] =	wrdreg $0xFFFFFFFF  }
0xae: {  	[dreg:$0x0] =	wrdreg $0x60  }
0xaf: {  	[dreg:$0x2] =	wrdreg s2  }
0xb0: {  	[dreg:$0x3] =	wrdreg s19  }
0xb1: {  	[dreg:$0x4] =	wrdreg $0x9  }
0xb2: {  	_ =	task.clear_ibuf [dreg:s8], $0x5FFFF;
	_ =	strace $0x90000046  }
0xb3: {  	s29 =	simm.s32 $0x9;
	_ =	strace $0x80000048  }
0xb4: {  	_ =	swait.ge [sflag:s29], $0x1  }
0xb5: {  	[sflag:s29] =	ssyncadd.s32 $0xFFFFFFFF  }
0xb6: {  	_ =	strace $0x90000048  }
0xb7: {  	_ =	sfence  }
0xb8: {  	s30 =	sld [smem:$0x0];
	_ =	sdelay $0x2  }
0xb9: {  	s31 =	sshll.u32 s1, $0xD;
	s1 =	sshrl.u32 s1, $0x2  }
0xba: {  	s3 =	sand.u32 $0x4000, s31;
	s1 =	sadd.s32 s1, s30  }
0xbb: {  	s0 =	sor.u32 s3, s0;
	s1 =	sshll.u32 s1, $0x11  }
0xbc: {  	s0 =	sor.u32 s1, s0  }
0xbd: {  	s0 =	sadd.s32 $0x8F2B, s0  }
0xbe: {  	[sflag:s0] =	ssyncadd.remote.s32 $0x1  }
0xbf: {  	_ =	sfence.sel $0xFFFF  }
0xc0: {  	[dreg:$0x0] =	wrdreg $0xFFFFFFFF;
	(pc) =	sbr.abs _section_cstart, $3  }
0xc1: {  	[dreg:$0x1] =	wrdreg $0xFFFFFFFF  }
0xc2: {  	_ =	task.clear_ibuf [dreg:s8], $0x2FFFF;
	_ =	strace $0x9FFFFFFF  }
0xc3: {  	(tm) =	ssettm $0x7FFFFFFF  }
tec
execute0_lowered:
.L_overlay_start_1:
0x0: {  	(tag) =	ssettag $0x1  }
0x1: {  	s23 =	rddreg [dreg:$0x0]  }
0x2: {  	s28 =	rddreg [dreg:$0x1];
	s2 =	srdreg.scid  }
0x3: {  	s0 =	rddreg [dreg:$0x2];
	s1 =	stileid.u32;
	s29 =	sand.u32 $0x1, s2  }
0x4: {  	s2 =	simm.s32 $0x0;
	s3 =	sshll.u32 s1, $0xF;
	s4 =	sshll.u32 s29, $0xE  }
0x5: {  	[smem:$0x7FF] =	sst s2;
	s24 =	sor.u32 s4, s3  }
0x6: {  	_ =	strace $0x80000047;
	s3 =	sadd.s32 s23, s24;
	s15 =	sor.u32 $0x800, s24  }
0x7: {  	[tilespmem:s2], [sflag:$0x1] =	stream.linear.gather [hbm4b:s3+s2], $0x4000, $0x38;
	[tilespmem:$0x8000] =	vst v63  }
0x8: {  	s5 =	simm.s32 $0x4000;
	s18 =	sor.u32 $0x1000, s24;
	s4 =	sadd.s32 s23, s15  }
0x9: {  	[tilespmem:s5], [sflag:$0x2] =	stream.linear.gather [hbm4b:s4+s2], $0x4000, $0x38;
	[tilespmem:$0x8000] =	vst v63  }
0xa: {  	s7 =	simm.s32 $0x8000;
	s21 =	sor.u32 $0x1800, s24;
	s6 =	sadd.s32 s23, s18  }
0xb: {  	[tilespmem:s7], [sflag:$0x3] =	stream.linear.gather [hbm4b:s6+s2], $0x4000, $0x38;
	[tilespmem:$0x8000] =	vst v63  }
0xc: {  	s9 =	simm.s32 $0xC000;
	s10 =	simm.s32 $0x1;
	s8 =	sadd.s32 s23, s21  }
0xd: {  	[tilespmem:s9], [sflag:$0x4] =	stream.linear.gather [hbm4b:s8+s2], $0x4000, $0x38;
	[tilespmem:$0x8000] =	vst v63  }
0xe: {  	_ =	swait.ge [sflag:s10], $0x4000  }
0xf: {  	[sflag:s10] =	ssyncset.done $0x0  }
0x10: {  	s12 =	simm.s32 $0x3;
	s11 =	sadd.s32 s28, s24;
	[sflag:s10] =	ssyncadd.s32 $0xFFFFC000  }
0x11: {  	[hbm4b:s11+s2] =	stream.linear.scatter [tilespmem:s2], [sflag:$0x3], $0x4000, $0x38;
	[tilespmem:$0x8000] =	vst v63  }
0x12: {  	_ =	swait.ge [sflag:s12], $0x4000  }
0x13: {  	s25 =	sor.u32 $0x2000, s24;
	[sflag:s12] =	ssyncset.done $0x0  }
0x14: {  	s14 =	simm.s32 $0x2;
	s13 =	sadd.s32 s23, s25;
	[sflag:s12] =	ssyncadd.s32 $0xFFFFC000  }
0x15: {  	[tilespmem:s2], [sflag:$0x1] =	stream.linear.gather [hbm4b:s13+s2], $0x4000, $0x38;
	[tilespmem:$0x8000] =	vst v63  }
0x16: {  	_ =	swait.ge [sflag:s14], $0x4000  }
0x17: {  	[sflag:s14] =	ssyncset.done $0x0  }
0x18: {  	s16 =	simm.s32 $0x4;
	s15 =	sadd.s32 s28, s15;
	[sflag:s14] =	ssyncadd.s32 $0xFFFFC000  }
0x19: {  	[hbm4b:s15+s2] =	stream.linear.scatter [tilespmem:s5], [sflag:$0x4], $0x4000, $0x38;
	[tilespmem:$0x8000] =	vst v63  }
0x1a: {  	_ =	swait.ge [sflag:s16], $0x4000  }
0x1b: {  	s26 =	sor.u32 $0x2800, s24;
	[sflag:s16] =	ssyncset.done $0x0  }
0x1c: {  	s17 =	sadd.s32 s23, s26;
	[sflag:s16] =	ssyncadd.s32 $0xFFFFC000  }
0x1d: {  	[tilespmem:s5], [sflag:$0x2] =	stream.linear.gather [hbm4b:s17+s2], $0x4000, $0x38;
	[tilespmem:$0x8000] =	vst v63  }
0x1e: {  	_ =	swait.ge [sflag:s12], $0x4000  }
0x1f: {  	[sflag:s12] =	ssyncset.done $0x0  }
0x20: {  	s19 =	simm.s32 $0x5;
	s18 =	sadd.s32 s28, s18;
	[sflag:s12] =	ssyncadd.s32 $0xFFFFC000  }
0x21: {  	[hbm4b:s18+s2] =	stream.linear.scatter [tilespmem:s7], [sflag:$0x5], $0x4000, $0x38;
	[tilespmem:$0x8000] =	vst v63  }
0x22: {  	_ =	swait.ge [sflag:s19], $0x4000  }
0x23: {  	s30 =	sor.u32 $0x3000, s24;
	[sflag:s19] =	ssyncset.done $0x0  }
0x24: {  	s20 =	sadd.s32 s23, s30;
	[sflag:s19] =	ssyncadd.s32 $0xFFFFC000  }
0x25: {  	[tilespmem:s7], [sflag:$0x3] =	stream.linear.gather [hbm4b:s20+s2], $0x4000, $0x38;
	[tilespmem:$0x8000] =	vst v63  }
0x26: {  	_ =	swait.ge [sflag:s16], $0x4000  }
0x27: {  	[sflag:s16] =	ssyncset.done $0x0  }
0x28: {  	s22 =	simm.s32 $0x6;
	s21 =	sadd.s32 s28, s21;
	[sflag:s16] =	ssyncadd.s32 $0xFFFFC000  }
0x29: {  	[hbm4b:s21+s2] =	stream.linear.scatter [tilespmem:s9], [sflag:$0x6], $0x4000, $0x38;
	[tilespmem:$0x8000] =	vst v63  }
0x2a: {  	_ =	swait.ge [sflag:s22], $0x4000  }
0x2b: {  	s31 =	sor.u32 $0x3800, s24;
	[sflag:s22] =	ssyncset.done $0x0  }
0x2c: {  	s23 =	sadd.s32 s23, s31;
	[sflag:s22] =	ssyncadd.s32 $0xFFFFC000  }
0x2d: {  	[tilespmem:s9], [sflag:$0x4] =	stream.linear.gather [hbm4b:s23+s2], $0x4000, $0x38;
	[tilespmem:$0x8000] =	vst v63  }
0x2e: {  	_ =	swait.ge [sflag:s10], $0x4000  }
0x2f: {  	[sflag:s10] =	ssyncset.done $0x0  }
0x30: {  	s24 =	sadd.s32 s28, s25;
	[sflag:s10] =	ssyncadd.s32 $0xFFFFC000  }
0x31: {  	[hbm4b:s24+s2] =	stream.linear.scatter [tilespmem:s2], [sflag:$0x3], $0x4000, $0x38;
	[tilespmem:$0x8000] =	vst v63  }
0x32: {  	_ =	swait.ge [sflag:s14], $0x4000  }
0x33: {  	[sflag:s14] =	ssyncset.done $0x0  }
0x34: {  	s25 =	sadd.s32 s28, s26;
	[sflag:s14] =	ssyncadd.s32 $0xFFFFC000  }
0x35: {  	[hbm4b:s25+s2] =	stream.linear.scatter [tilespmem:s5], [sflag:$0x4], $0x4000, $0x38;
	[tilespmem:$0x8000] =	vst v63  }
0x36: {  	_ =	swait.ge [sflag:s12], $0x4000  }
0x37: {  	[sflag:s12] =	ssyncset.done $0x0  }
0x38: {  	s26 =	sadd.s32 s28, s30;
	[sflag:s12] =	ssyncadd.s32 $0xFFFFC000  }
0x39: {  	[hbm4b:s26+s2] =	stream.linear.scatter [tilespmem:s7], [sflag:$0x5], $0x4000, $0x38;
	[tilespmem:$0x8000] =	vst v63  }
0x3a: {  	_ =	swait.ge [sflag:s16], $0x4000  }
0x3b: {  	[sflag:s16] =	ssyncset.done $0x0  }
0x3c: {  	s28 =	sadd.s32 s28, s31;
	[sflag:s16] =	ssyncadd.s32 $0xFFFFC000  }
0x3d: {  	[hbm4b:s28+s2] =	stream.linear.scatter [tilespmem:s9], [sflag:$0x6], $0x4000, $0x38;
	[tilespmem:$0x8000] =	vst v63  }
0x3e: {  	_ =	swait.ge [sflag:s12], $0x4000  }
0x3f: {  	s29 =	ssub.s32 $0x2, s29;
	[sflag:s12] =	ssyncset.done $0x0  }
0x40: {  	s31 =	sshrl.u32 s29, $0x1;
	[sflag:s12] =	ssyncadd.s32 $0xFFFFC000  }
0x41: {  	s29 =	ssub.s32 s29, s31;
	_ =	swait.ge [sflag:s16], $0x4000  }
0x42: {  	s29 =	smax.u32 s29, $0x1;
	[sflag:s16] =	ssyncset.done $0x0  }
0x43: {  	p0 =	sne.s32 s29, $0x1;
	[sflag:s16] =	ssyncadd.s32 $0xFFFFC000  }
.Ltmp0:
0x44: {  	_ =	swait.ge [sflag:s19], $0x4000;
	(pc) =	sbr.rel @!p0 .LBB2_2-.Ltmp0, $4  }
0x45: {  	[sflag:s19] =	ssyncset.done $0x0  }
0x46: {  	[sflag:s19] =	ssyncadd.s32 $0xFFFFC000  }
0x47: {  	_ =	swait.ge [sflag:s22], $0x4000  }
0x48: {  	s29 =	sadd.s32 $0xFFFFFFFF, s29;
	[sflag:s22] =	ssyncset.done $0x0  }
.LBB2_1:
0x49: {  	p0 =	sne.s32 s29, $0x1;
	s29 =	sadd.s32 $0xFFFFFFFF, s29;
	[sflag:s22] =	ssyncadd.s32 $0xFFFFC000  }
0x4a: {  	[tilespmem:s2], [sflag:$0x1] =	stream.linear.gather [hbm4b:s3+s2], $0x4000, $0x38;
	[tilespmem:$0x8000] =	vst v63  }
0x4b: {  	_ = 	snop  }
0x4c: {  	[tilespmem:s5], [sflag:$0x2] =	stream.linear.gather [hbm4b:s4+s2], $0x4000, $0x38;
	[tilespmem:$0x8000] =	vst v63  }
0x4d: {  	_ = 	snop  }
0x4e: {  	[tilespmem:s7], [sflag:$0x3] =	stream.linear.gather [hbm4b:s6+s2], $0x4000, $0x38;
	[tilespmem:$0x8000] =	vst v63  }
0x4f: {  	_ = 	snop  }
0x50: {  	[tilespmem:s9], [sflag:$0x4] =	stream.linear.gather [hbm4b:s8+s2], $0x4000, $0x38;
	[tilespmem:$0x8000] =	vst v63  }
0x51: {  	_ =	swait.ge [sflag:s10], $0x4000  }
0x52: {  	[sflag:s10] =	ssyncset.done $0x0  }
0x53: {  	[sflag:s10] =	ssyncadd.s32 $0xFFFFC000  }
0x54: {  	[hbm4b:s11+s2] =	stream.linear.scatter [tilespmem:s2], [sflag:$0x3], $0x4000, $0x38;
	[tilespmem:$0x8000] =	vst v63  }
0x55: {  	_ =	swait.ge [sflag:s12], $0x4000  }
0x56: {  	[sflag:s12] =	ssyncset.done $0x0  }
0x57: {  	[sflag:s12] =	ssyncadd.s32 $0xFFFFC000  }
0x58: {  	[tilespmem:s2], [sflag:$0x1] =	stream.linear.gather [hbm4b:s13+s2], $0x4000, $0x38;
	[tilespmem:$0x8000] =	vst v63  }
0x59: {  	_ =	swait.ge [sflag:s14], $0x4000  }
0x5a: {  	[sflag:s14] =	ssyncset.done $0x0  }
0x5b: {  	[sflag:s14] =	ssyncadd.s32 $0xFFFFC000  }
0x5c: {  	[hbm4b:s15+s2] =	stream.linear.scatter [tilespmem:s5], [sflag:$0x4], $0x4000, $0x38;
	[tilespmem:$0x8000] =	vst v63  }
0x5d: {  	_ =	swait.ge [sflag:s16], $0x4000  }
0x5e: {  	[sflag:s16] =	ssyncset.done $0x0  }
0x5f: {  	[sflag:s16] =	ssyncadd.s32 $0xFFFFC000  }
0x60: {  	[tilespmem:s5], [sflag:$0x2] =	stream.linear.gather [hbm4b:s17+s2], $0x4000, $0x38;
	[tilespmem:$0x8000] =	vst v63  }
0x61: {  	_ =	swait.ge [sflag:s12], $0x4000  }
0x62: {  	[sflag:s12] =	ssyncset.done $0x0  }
0x63: {  	[sflag:s12] =	ssyncadd.s32 $0xFFFFC000  }
0x64: {  	[hbm4b:s18+s2] =	stream.linear.scatter [tilespmem:s7], [sflag:$0x5], $0x4000, $0x38;
	[tilespmem:$0x8000] =	vst v63  }
0x65: {  	_ =	swait.ge [sflag:s19], $0x4000  }
0x66: {  	[sflag:s19] =	ssyncset.done $0x0  }
0x67: {  	[sflag:s19] =	ssyncadd.s32 $0xFFFFC000  }
0x68: {  	[tilespmem:s7], [sflag:$0x3] =	stream.linear.gather [hbm4b:s20+s2], $0x4000, $0x38;
	[tilespmem:$0x8000] =	vst v63  }
0x69: {  	_ =	swait.ge [sflag:s16], $0x4000  }
0x6a: {  	[sflag:s16] =	ssyncset.done $0x0  }
0x6b: {  	[sflag:s16] =	ssyncadd.s32 $0xFFFFC000  }
0x6c: {  	[hbm4b:s21+s2] =	stream.linear.scatter [tilespmem:s9], [sflag:$0x6], $0x4000, $0x38;
	[tilespmem:$0x8000] =	vst v63  }
0x6d: {  	_ =	swait.ge [sflag:s22], $0x4000  }
0x6e: {  	[sflag:s22] =	ssyncset.done $0x0  }
0x6f: {  	[sflag:s22] =	ssyncadd.s32 $0xFFFFC000  }
0x70: {  	[tilespmem:s9], [sflag:$0x4] =	stream.linear.gather [hbm4b:s23+s2], $0x4000, $0x38;
	[tilespmem:$0x8000] =	vst v63  }
0x71: {  	_ =	swait.ge [sflag:s10], $0x4000  }
0x72: {  	[sflag:s10] =	ssyncset.done $0x0  }
0x73: {  	[sflag:s10] =	ssyncadd.s32 $0xFFFFC000  }
0x74: {  	[hbm4b:s24+s2] =	stream.linear.scatter [tilespmem:s2], [sflag:$0x3], $0x4000, $0x38;
	[tilespmem:$0x8000] =	vst v63  }
0x75: {  	_ =	swait.ge [sflag:s14], $0x4000  }
0x76: {  	[sflag:s14] =	ssyncset.done $0x0  }
0x77: {  	[sflag:s14] =	ssyncadd.s32 $0xFFFFC000  }
0x78: {  	[hbm4b:s25+s2] =	stream.linear.scatter [tilespmem:s5], [sflag:$0x4], $0x4000, $0x38;
	[tilespmem:$0x8000] =	vst v63  }
0x79: {  	_ =	swait.ge [sflag:s12], $0x4000  }
0x7a: {  	[sflag:s12] =	ssyncset.done $0x0  }
0x7b: {  	[sflag:s12] =	ssyncadd.s32 $0xFFFFC000  }
0x7c: {  	[hbm4b:s26+s2] =	stream.linear.scatter [tilespmem:s7], [sflag:$0x5], $0x4000, $0x38;
	[tilespmem:$0x8000] =	vst v63  }
0x7d: {  	_ =	swait.ge [sflag:s16], $0x4000  }
0x7e: {  	[sflag:s16] =	ssyncset.done $0x0  }
0x7f: {  	[sflag:s16] =	ssyncadd.s32 $0xFFFFC000  }
0x80: {  	[hbm4b:s28+s2] =	stream.linear.scatter [tilespmem:s9], [sflag:$0x6], $0x4000, $0x38;
	[tilespmem:$0x8000] =	vst v63  }
0x81: {  	_ =	swait.ge [sflag:s12], $0x4000  }
0x82: {  	[sflag:s12] =	ssyncset.done $0x0  }
0x83: {  	[sflag:s12] =	ssyncadd.s32 $0xFFFFC000  }
0x84: {  	_ =	swait.ge [sflag:s16], $0x4000  }
0x85: {  	[sflag:s16] =	ssyncset.done $0x0  }
0x86: {  	[sflag:s16] =	ssyncadd.s32 $0xFFFFC000  }
.Ltmp1:
0x87: {  	_ =	swait.ge [sflag:s19], $0x4000;
	(pc) =	sbr.rel @p0 .LBB2_1-.Ltmp1, $4  }
0x88: {  	[sflag:s19] =	ssyncset.done $0x0  }
0x89: {  	[sflag:s19] =	ssyncadd.s32 $0xFFFFC000  }
0x8a: {  	_ =	swait.ge [sflag:s22], $0x4000  }
0x8b: {  	[sflag:s22] =	ssyncset.done $0x0  }
.LBB2_2:
0x8c: {  	[sflag:s22] =	ssyncadd.s32 $0xFFFFC000  }
0x8d: {  	_ =	sfence.sel $0x180000  }
0x8e: {  	[bflag:$0x0] =	sbarrier.arrive $0xFFFF  }
0x8f: {  	p0 =	sne.s32 s1, $0x0;
	_ =	strace $0x90000047  }
0x90: {  	s0 =	sadd.s32 @!p0 $0x100000, s0;
	[bflag:$0x2] =	sbarrier.arrive $0xFFFF  }
0x91: {  	[sflag:s0] =	ssyncadd.tile.s32 @!p0 $0x1;
	_ =	shalt  }
.Lfunc_end2:
_tile_overlayer_lowered:
.L_overlay_start_2:
0x92: {  	(tag) =	ssettag $0x2  }
0x93: {  	s0 =	rddreg [dreg:$0x0];
	s2 =	stileid.u32  }
0x94: {  	s1 =	rddreg [dreg:$0x1];
	p0 =	sne.s32 s2, $0x0  }
0x95: {  	s3 =	rddreg [dreg:$0x2];
	[bflag:$0x3] =	sbarrier.arrive $0xFFFF;
	s2 =	simm.s32 @!p0 $0x1C05  }
0x96: {  	[timem:s3], [sflag:s2] =	dma.local @!p0 [hbm:s0], s1  }
0x97: {  	s0 =	simm.s32 @!p0 $0x5  }
0x98: {  	_ =	swait.ge @!p0 [sflag:s0], s1  }
0x99: {  	s1 =	ssub.s32 @!p0 $0x0, s1;
	[sflag:s0] =	ssyncset.done @!p0 $0x0  }
0x9a: {  	[sflag:s0] =	ssyncadd.s32 @!p0 s1  }
0x9b: {  	[bflag:$0x3] =	sbarrier.arrive $0xFFFF  }
0x9c: {  	_ =	shalt  }

</sc_bundles>
